<compile_context>
chip_gen: v7x
topology: tpu7x:2x2x1
jax: 0.10.2.dev20260603
libtpu: 0.0.44.dev20260713+nightly
codegen_flags: <defaults>
</compile_context>

<pallas_src>
import functools

import jax
import jax.numpy as jnp
from jax import lax
from jax.experimental import pallas as pl
from jax.experimental.pallas import tpu as pltpu
from jax.experimental.pallas import tpu_sc as plsc

N = 10000
E = 320000
D = 128

NC = 2
NS = 16
CHUNK = 128
SEGC = 16
SEG = SEGC * CHUNK
SEGS = -(-E // (NC * NS * SEG))
E_PAD = NC * NS * SEGS * SEG
ACC_ROWS = 10240
TROWS = ACC_ROWS // NS
NDEG = 10240
DUMMY_ROW = 10200


def _agg_sc(h, src_r, dst_r):
    mesh = plsc.VectorSubcoreMesh(core_axis_name="c", subcore_axis_name="s")
    out_type = [
        jax.ShapeDtypeStruct((NC, ACC_ROWS, D), jnp.float32),
        jax.ShapeDtypeStruct((NC, NS, NDEG), jnp.float32),
    ]
    scratch = [
        pltpu.VMEM((SEGC, CHUNK), jnp.int32),
        pltpu.VMEM((SEGC, CHUNK), jnp.int32),
        pltpu.VMEM((CHUNK, D), jnp.float32),
        pltpu.VMEM((NDEG,), jnp.float32),
        pltpu.VMEM_SHARED((ACC_ROWS, D), jnp.float32),
        pltpu.SemaphoreType.DMA,
    ]

    @functools.partial(
        pl.kernel, mesh=mesh, out_type=out_type, scratch_types=scratch,
        compiler_params=pltpu.CompilerParams(needs_layout_passes=False))
    def k(h_hbm, src_hbm, dst_hbm, out_hbm, deg_hbm,
          src_seg, dst_seg, rows_v, deg_v, acc, sem):
        c = lax.axis_index("c")
        s = lax.axis_index("s")
        base = s * TROWS

        def zr(i, _):
            for j in range(D // 16):
                rows_v[i, pl.ds(j * 16, 16)] = jnp.zeros((16,), jnp.float32)
            return 0
        lax.fori_loop(0, CHUNK, zr, 0)
        for r in range(TROWS // CHUNK):
            pltpu.sync_copy(rows_v, acc.at[pl.ds(base + r * CHUNK, CHUNK)])

        def zdeg(i, _):
            deg_v[pl.ds(i * 16, 16)] = jnp.zeros((16,), jnp.float32)
            return 0
        lax.fori_loop(0, NDEG // 16, zdeg, 0)
        plsc.subcore_barrier()

        ones16 = jnp.ones((16,), jnp.float32)

        def seg_loop(t, _):
            pltpu.sync_copy(src_hbm.at[c, s, t], src_seg)
            pltpu.sync_copy(dst_hbm.at[c, s, t], dst_seg)

            def chunk(j, _):
                d = pltpu.async_copy(h_hbm.at[src_seg.at[j]], rows_v, sem)
                for kk in range(CHUNK // 16):
                    idx = dst_seg[j, pl.ds(kk * 16, 16)]
                    plsc.addupdate_scatter(deg_v, [idx], ones16)
                d.wait()
                pltpu.sync_copy(rows_v, acc.at[dst_seg.at[j]], add=True)
                return 0
            lax.fori_loop(0, SEGC, chunk, 0)
            return 0
        lax.fori_loop(0, SEGS, seg_loop, 0)
        plsc.subcore_barrier()

        pltpu.sync_copy(acc.at[pl.ds(base, TROWS)],
                        out_hbm.at[c, pl.ds(base, TROWS)])
        pltpu.sync_copy(deg_v, deg_hbm.at[c, s])

    return k(h, src_r, dst_r)


BLK = 1000
NB = N // BLK


def _mm_stats_tc(P, Dg, Hin, WlT, WrT, bl):
    def body(p_ref, d_ref, h_ref, wl_ref, wr_ref, bl_ref, s_ref, st_ref,
             acc_ref):
        i = pl.program_id(0)
        agg = p_ref[0] + p_ref[1]
        deg = jnp.sum(d_ref[...], axis=1, keepdims=True)
        aggn = agg / jnp.maximum(deg, 1.0)
        s = (jnp.dot(aggn, wl_ref[...], preferred_element_type=jnp.float32)
             + jnp.dot(h_ref[...], wr_ref[...],
                       preferred_element_type=jnp.float32)
             + bl_ref[...])
        s_ref[...] = s

        @pl.when(i == 0)
        def _():
            acc_ref[...] = jnp.zeros_like(acc_ref)
        acc_ref[0:1, :] += jnp.sum(s, axis=0, keepdims=True)
        acc_ref[1:2, :] += jnp.sum(s * s, axis=0, keepdims=True)

        @pl.when(i == NB - 1)
        def _():
            st_ref[...] = acc_ref[...]

    return pl.pallas_call(
        body,
        grid=(NB,),
        in_specs=[
            pl.BlockSpec((NC, BLK, D), lambda i: (0, i, 0)),
            pl.BlockSpec((BLK, NC * NS), lambda i: (i, 0)),
            pl.BlockSpec((BLK, D), lambda i: (i, 0)),
            pl.BlockSpec((D, D), lambda i: (0, 0)),
            pl.BlockSpec((D, D), lambda i: (0, 0)),
            pl.BlockSpec((1, D), lambda i: (0, 0)),
        ],
        out_specs=[
            pl.BlockSpec((BLK, D), lambda i: (i, 0)),
            pl.BlockSpec((2, D), lambda i: (0, 0)),
        ],
        out_shape=[
            jax.ShapeDtypeStruct((N, D), jnp.float32),
            jax.ShapeDtypeStruct((2, D), jnp.float32),
        ],
        scratch_shapes=[pltpu.VMEM((2, D), jnp.float32)],
    )(P, Dg, Hin, WlT, WrT, bl)


def _bn_relu_tc(S, st, Hin, gamma, beta, rscale):
    def body(s_ref, st_ref, h_ref, g_ref, b_ref, r_ref, o_ref):
        mu = st_ref[0:1, :] * (1.0 / N)
        var = st_ref[1:2, :] * (1.0 / N) - mu * mu
        inv = lax.rsqrt(var + 1e-5)
        y = (s_ref[...] - mu) * (inv * g_ref[...]) + b_ref[...]
        y = jnp.maximum(y, 0.0)
        o_ref[...] = y + r_ref[...] * h_ref[...]

    return pl.pallas_call(
        body,
        grid=(NB,),
        in_specs=[
            pl.BlockSpec((BLK, D), lambda i: (i, 0)),
            pl.BlockSpec((2, D), lambda i: (0, 0)),
            pl.BlockSpec((BLK, D), lambda i: (i, 0)),
            pl.BlockSpec((1, D), lambda i: (0, 0)),
            pl.BlockSpec((1, D), lambda i: (0, 0)),
            pl.BlockSpec((1, D), lambda i: (0, 0)),
        ],
        out_specs=pl.BlockSpec((BLK, D), lambda i: (i, 0)),
        out_shape=jax.ShapeDtypeStruct((N, D), jnp.float32),
    )(S, st, Hin, gamma, beta, rscale)


def _head_tc(H, W1T, b1, W2p, b2p):
    def body(h_ref, w1_ref, b1_ref, w2_ref, b2_ref, o_ref):
        y = jnp.maximum(
            jnp.dot(h_ref[...], w1_ref[...],
                    preferred_element_type=jnp.float32) + b1_ref[...], 0.0)
        o_ref[...] = jnp.dot(y, w2_ref[...],
                             preferred_element_type=jnp.float32) + b2_ref[...]

    return pl.pallas_call(
        body,
        grid=(NB,),
        in_specs=[
            pl.BlockSpec((BLK, D), lambda i: (i, 0)),
            pl.BlockSpec((D, D), lambda i: (0, 0)),
            pl.BlockSpec((1, D), lambda i: (0, 0)),
            pl.BlockSpec((D, 8), lambda i: (0, 0)),
            pl.BlockSpec((1, 8), lambda i: (0, 0)),
        ],
        out_specs=pl.BlockSpec((BLK, 8), lambda i: (i, 0)),
        out_shape=jax.ShapeDtypeStruct((N, 8), jnp.float32),
    )(H, W1T, b1, W2p, b2p)


def kernel(x, edge_index, Wl0, bl0, Wr0, gamma0, beta0, Wl1, bl1, Wr1,
           gamma1, beta1, Wl2, bl2, Wr2, gamma2, beta2, Wm1, bm1, Wm2, bm2):
    src = edge_index[0]
    dst = edge_index[1]
    pad = E_PAD - E
    src_r = jnp.concatenate(
        [src, jnp.zeros((pad,), jnp.int32)]).reshape(NC, NS, SEGS, SEGC,
                                                     CHUNK)
    dst_r = jnp.concatenate(
        [dst, jnp.full((pad,), DUMMY_ROW, jnp.int32)]).reshape(
            NC, NS, SEGS, SEGC, CHUNK)

    Wlt = jnp.stack([Wl0.T, Wl1.T, Wl2.T])
    Wrt = jnp.stack([Wr0.T, Wr1.T, Wr2.T])
    blv = jnp.stack([bl0, bl1, bl2])[:, None, :]
    gv = jnp.stack([gamma0, gamma1, gamma2])[:, None, :]
    bv = jnp.stack([beta0, beta1, beta2])[:, None, :]
    rv = (jnp.array([0.0, 1.0, 1.0], jnp.float32)[:, None, None]
          * jnp.ones((1, 1, D), jnp.float32))

    def layer_step(i, h):
        wlt = lax.dynamic_index_in_dim(Wlt, i, 0, keepdims=False)
        wrt = lax.dynamic_index_in_dim(Wrt, i, 0, keepdims=False)
        bl = lax.dynamic_index_in_dim(blv, i, 0, keepdims=False)
        g = lax.dynamic_index_in_dim(gv, i, 0, keepdims=False)
        b = lax.dynamic_index_in_dim(bv, i, 0, keepdims=False)
        r = lax.dynamic_index_in_dim(rv, i, 0, keepdims=False)
        P, Dgp = _agg_sc(h, src_r, dst_r)
        S, st = _mm_stats_tc(P, Dgp.reshape(NC * NS, NDEG).T, h, wlt, wrt,
                             bl)
        return _bn_relu_tc(S, st, h, g, b, r)

    n_layers = 2 + (edge_index[0, 0] >= 0).astype(jnp.int32)
    h = lax.fori_loop(0, n_layers, layer_step, x)

    W2p = jnp.zeros((D, 8), jnp.float32).at[:, 0].set(Wm2[0])
    b2p = jnp.broadcast_to(bm2, (1, 8)) * 0.0 + bm2[0]
    out8 = _head_tc(h, Wm1.T, bm1[None, :], W2p, b2p)
    return out8[:, 0]

# --- scband reference (transcript-rebuilt; emitter-appended) ---
"""Pipeline reference for scband-misscore-gnn-40295383171593 (READ-ONLY COPY).

The authoritative reference and input builder live on the scoring server;
editing this copy changes nothing except your own understanding.
"""

import jax, jax.numpy as jnp
import numpy as np

N = 10000
E = 320000
D = 128
H = 128


def setup_inputs(seed: int = 0) -> dict:
    key = jax.random.key(seed)
    ks = jax.random.split(key, 24)
    inp = {}
    inp["x"] = jax.random.normal(ks[0], (N, D), dtype=jnp.float32)
    inp["edge_index"] = jax.random.randint(ks[1], (2, E), 0, N, dtype=jnp.int32)
    dims = [(D, H), (H, H), (H, H)]
    kk = 2
    for i, (din, dout) in enumerate(dims):
        inp[f"Wl{i}"] = jax.random.normal(ks[kk], (dout, din), dtype=jnp.float32) * (1.0 / np.sqrt(din)); kk += 1
        inp[f"bl{i}"] = jnp.zeros((dout,), dtype=jnp.float32)
        inp[f"Wr{i}"] = jax.random.normal(ks[kk], (dout, din), dtype=jnp.float32) * (1.0 / np.sqrt(din)); kk += 1
        inp[f"gamma{i}"] = jnp.ones((dout,), dtype=jnp.float32)
        inp[f"beta{i}"] = jnp.zeros((dout,), dtype=jnp.float32)
    inp["Wm1"] = jax.random.normal(ks[kk], (H, H), dtype=jnp.float32) * (1.0 / np.sqrt(H)); kk += 1
    inp["bm1"] = jnp.zeros((H,), dtype=jnp.float32)
    inp["Wm2"] = jax.random.normal(ks[kk], (1, H), dtype=jnp.float32) * (1.0 / np.sqrt(H)); kk += 1
    inp["bm2"] = jnp.zeros((1,), dtype=jnp.float32)
    return inp


def reference(x, edge_index, Wl0, bl0, Wr0, gamma0, beta0, Wl1, bl1, Wr1, gamma1, beta1, Wl2, bl2, Wr2, gamma2, beta2, Wm1, bm1, Wm2, bm2):
    src = edge_index[0]
    dst = edge_index[1]

    def sage(h, Wl, bl, Wr):
        # SAGEConv (mean aggregation): lin_l(mean_j x_j) + lin_r(x_i)
        msg = h[src]
        agg = jax.ops.segment_sum(msg, dst, num_segments=N)
        deg = jax.ops.segment_sum(jnp.ones((E,), dtype=h.dtype), dst, num_segments=N)
        agg = agg / jnp.clip(deg, 1.0, None)[:, None]
        return agg @ Wl.T + bl + h @ Wr.T

    def bn(h, g, b):
        # train-mode BatchNorm1d over nodes (biased variance)
        mu = jnp.mean(h, axis=0)
        var = jnp.var(h, axis=0)
        return (h - mu) * jax.lax.rsqrt(var + 1e-5) * g + b

    layers = [
        (Wl0, bl0, Wr0, gamma0, beta0),
        (Wl1, bl1, Wr1, gamma1, beta1),
        (Wl2, bl2, Wr2, gamma2, beta2),
    ]
    h = x
    for i, (Wl, bl, Wr, g, b) in enumerate(layers):
        h_in = h
        h = jax.nn.relu(bn(sage(h, Wl, bl, Wr), g, b))
        if i > 0:
            h = h + h_in
    out = jax.nn.relu(h @ Wm1.T + bm1) @ Wm2.T + bm2
    return out.squeeze(-1)

if __name__ == "__main__":
    import jax
    _d = setup_inputs()
    print(jax.jit(kernel)(*tuple(_d.values())))

</pallas_src>

<mosaic_0001>
#map = affine_map<(d0, d1) -> (0, 0)>
#map1 = affine_map<(d0, d1) -> (0, 0, 0, 0, 0)>
#map2 = affine_map<(d0, d1) -> (0, 0, 0)>
module attributes {stable_mosaic.version = 14 : i64} {
  func.func @k(%arg0: i32, %arg1: i32, %arg2: memref<10000x128xf32, #tpu.memory_space<hbm>>, %arg3: memref<2x16x5x16x128xi32, #tpu.memory_space<hbm>>, %arg4: memref<2x16x5x16x128xi32, #tpu.memory_space<hbm>>, %arg5: memref<2x10240x128xf32, #tpu.memory_space<hbm>>, %arg6: memref<2x16x10240xf32, #tpu.memory_space<hbm>>, %arg7: memref<16x128xi32, #tpu.memory_space<vmem>>, %arg8: memref<16x128xi32, #tpu.memory_space<vmem>>, %arg9: memref<128x128xf32, #tpu.memory_space<vmem>>, %arg10: memref<10240xf32, #tpu.memory_space<vmem>>, %arg11: memref<10240x128xf32, #tpu.memory_space<vmem_shared>>, %arg12: memref<!tpu.dma_semaphore, #tpu.memory_space<semaphore_mem>>) attributes {dimension_semantics = [#tpu.dimension_semantics<core_parallel>, #tpu.dimension_semantics<subcore_parallel>], iteration_bounds = array<i64: 2, 16>, scalar_prefetch = 0 : i64, scratch_operands = 6 : i64, tpu.core_type = #tpu.core_type<sc_vector_subcore>, window_params = [{transform_indices = #map}, {transform_indices = #map1}, {transform_indices = #map1}, {transform_indices = #map2}, {transform_indices = #map2}]} {
    %mul3A = arith.constant 640 : i32
    %mul3A_0 = arith.muli %arg1, %mul3A : i32
    %scan3A = arith.constant 0 : i32
    %scan3A_1 = arith.constant 0 : i32
    %scan3A_2 = arith.constant 128 : i32
    %scan3A_3 = arith.addi %scan3A_1, %scan3A_2 : i32
    %scan3A_4 = arith.constant 1 : i32
    %scan3A_5 = scf.for %scan3A_32 = %scan3A_1 to %scan3A_3 step %scan3A_4 iter_args(%scan3A_33 = %scan3A) -> (i32)  : i32 {
      %broadcast_in_dim3A_34 = arith.constant 0.000000e+00 : f32
      %broadcast_in_dim3A_35 = vector.broadcast %broadcast_in_dim3A_34 : f32 to vector<16xf32>
      %swap3A = arith.index_cast %scan3A_32 : i32 to index
      %swap3A_36 = arith.constant 0 : index
      %swap3A_37 = tpu.vector_load %arg9[%swap3A, %swap3A_36] {strides = array<i32>} : memref<128x128xf32, #tpu.memory_space<vmem>>, vector<16xf32>,
      tpu.vector_store %arg9[%swap3A, %swap3A_36], %broadcast_in_dim3A_35 {strides = array<i32>} : memref<128x128xf32, #tpu.memory_space<vmem>>, vector<16xf32>,
      %broadcast_in_dim3A_38 = arith.constant 0.000000e+00 : f32
      %broadcast_in_dim3A_39 = vector.broadcast %broadcast_in_dim3A_38 : f32 to vector<16xf32>
      %swap3A_40 = arith.index_cast %scan3A_32 : i32 to index
      %swap3A_41 = arith.constant 16 : index
      %swap3A_42 = tpu.vector_load %arg9[%swap3A_40, %swap3A_41] {strides = array<i32>} : memref<128x128xf32, #tpu.memory_space<vmem>>, vector<16xf32>,
      tpu.vector_store %arg9[%swap3A_40, %swap3A_41], %broadcast_in_dim3A_39 {strides = array<i32>} : memref<128x128xf32, #tpu.memory_space<vmem>>, vector<16xf32>,
      %broadcast_in_dim3A_43 = arith.constant 0.000000e+00 : f32
      %broadcast_in_dim3A_44 = vector.broadcast %broadcast_in_dim3A_43 : f32 to vector<16xf32>
      %swap3A_45 = arith.index_cast %scan3A_32 : i32 to index
      %swap3A_46 = arith.constant 32 : index
      %swap3A_47 = tpu.vector_load %arg9[%swap3A_45, %swap3A_46] {strides = array<i32>} : memref<128x128xf32, #tpu.memory_space<vmem>>, vector<16xf32>,
      tpu.vector_store %arg9[%swap3A_45, %swap3A_46], %broadcast_in_dim3A_44 {strides = array<i32>} : memref<128x128xf32, #tpu.memory_space<vmem>>, vector<16xf32>,
      %broadcast_in_dim3A_48 = arith.constant 0.000000e+00 : f32
      %broadcast_in_dim3A_49 = vector.broadcast %broadcast_in_dim3A_48 : f32 to vector<16xf32>
      %swap3A_50 = arith.index_cast %scan3A_32 : i32 to index
      %swap3A_51 = arith.constant 48 : index
      %swap3A_52 = tpu.vector_load %arg9[%swap3A_50, %swap3A_51] {strides = array<i32>} : memref<128x128xf32, #tpu.memory_space<vmem>>, vector<16xf32>,
      tpu.vector_store %arg9[%swap3A_50, %swap3A_51], %broadcast_in_dim3A_49 {strides = array<i32>} : memref<128x128xf32, #tpu.memory_space<vmem>>, vector<16xf32>,
      %broadcast_in_dim3A_53 = arith.constant 0.000000e+00 : f32
      %broadcast_in_dim3A_54 = vector.broadcast %broadcast_in_dim3A_53 : f32 to vector<16xf32>
      %swap3A_55 = arith.index_cast %scan3A_32 : i32 to index
      %swap3A_56 = arith.constant 64 : index
      %swap3A_57 = tpu.vector_load %arg9[%swap3A_55, %swap3A_56] {strides = array<i32>} : memref<128x128xf32, #tpu.memory_space<vmem>>, vector<16xf32>,
      tpu.vector_store %arg9[%swap3A_55, %swap3A_56], %broadcast_in_dim3A_54 {strides = array<i32>} : memref<128x128xf32, #tpu.memory_space<vmem>>, vector<16xf32>,
      %broadcast_in_dim3A_58 = arith.constant 0.000000e+00 : f32
      %broadcast_in_dim3A_59 = vector.broadcast %broadcast_in_dim3A_58 : f32 to vector<16xf32>
      %swap3A_60 = arith.index_cast %scan3A_32 : i32 to index
      %swap3A_61 = arith.constant 80 : index
      %swap3A_62 = tpu.vector_load %arg9[%swap3A_60, %swap3A_61] {strides = array<i32>} : memref<128x128xf32, #tpu.memory_space<vmem>>, vector<16xf32>,
      tpu.vector_store %arg9[%swap3A_60, %swap3A_61], %broadcast_in_dim3A_59 {strides = array<i32>} : memref<128x128xf32, #tpu.memory_space<vmem>>, vector<16xf32>,
      %broadcast_in_dim3A_63 = arith.constant 0.000000e+00 : f32
      %broadcast_in_dim3A_64 = vector.broadcast %broadcast_in_dim3A_63 : f32 to vector<16xf32>
      %swap3A_65 = arith.index_cast %scan3A_32 : i32 to index
      %swap3A_66 = arith.constant 96 : index
      %swap3A_67 = tpu.vector_load %arg9[%swap3A_65, %swap3A_66] {strides = array<i32>} : memref<128x128xf32, #tpu.memory_space<vmem>>, vector<16xf32>,
      tpu.vector_store %arg9[%swap3A_65, %swap3A_66], %broadcast_in_dim3A_64 {strides = array<i32>} : memref<128x128xf32, #tpu.memory_space<vmem>>, vector<16xf32>,
      %broadcast_in_dim3A_68 = arith.constant 0.000000e+00 : f32
      %broadcast_in_dim3A_69 = vector.broadcast %broadcast_in_dim3A_68 : f32 to vector<16xf32>
      %swap3A_70 = arith.index_cast %scan3A_32 : i32 to index
      %swap3A_71 = arith.constant 112 : index
      %swap3A_72 = tpu.vector_load %arg9[%swap3A_70, %swap3A_71] {strides = array<i32>} : memref<128x128xf32, #tpu.memory_space<vmem>>, vector<16xf32>,
      tpu.vector_store %arg9[%swap3A_70, %swap3A_71], %broadcast_in_dim3A_69 {strides = array<i32>} : memref<128x128xf32, #tpu.memory_space<vmem>>, vector<16xf32>,
      %scan3A_73 = arith.constant 0 : i32
      scf.yield %scan3A_73 : i32
    }
    %scan3A_6 = arith.constant 128 : i32
    %add3A = arith.constant 0 : i32
    %add3A_7 = arith.addi %mul3A_0, %add3A : i32
    "tpu.region"() ({
      %run_scoped3A = tpu.sem_alloc : memref<!tpu.dma_semaphore, #tpu.memory_space<semaphore_mem>>
      %dma_start3A = arith.constant 0 : i32
      %dma_start3A_32 = tpu.memref_slice %arg11[%add3A_7, %dma_start3A] : memref<10240x128xf32, #tpu.memory_space<vmem_shared>> -> memref<128x128xf32, #tpu.memory_space<vmem_shared>>
      %dma_start3A_33 = arith.constant 0 : i32
      %dma_start3A_34 = tpu.memref_slice %arg11[%add3A_7, %dma_start3A_33] : memref<10240x128xf32, #tpu.memory_space<vmem_shared>> -> memref<128x128xf32, #tpu.memory_space<vmem_shared>>
      tpu.enqueue_dma source(%arg9 : memref<128x128xf32, #tpu.memory_space<vmem>>) target(%dma_start3A_34 : memref<128x128xf32, #tpu.memory_space<vmem_shared>>) target_semaphore(%run_scoped3A : memref<!tpu.dma_semaphore, #tpu.memory_space<semaphore_mem>>)
      %dma_wait3A = arith.constant 0 : i32
      %dma_wait3A_35 = tpu.memref_slice %arg11[%add3A_7, %dma_wait3A] : memref<10240x128xf32, #tpu.memory_space<vmem_shared>> -> memref<128x128xf32, #tpu.memory_space<vmem_shared>>
      %dma_wait3A_36 = arith.constant 0 : i32
      %dma_wait3A_37 = tpu.memref_slice %arg11[%add3A_7, %dma_wait3A_36] : memref<10240x128xf32, #tpu.memory_space<vmem_shared>> -> memref<128x128xf32, #tpu.memory_space<vmem_shared>>
      tpu.wait_dma2 semaphore(%run_scoped3A : memref<!tpu.dma_semaphore, #tpu.memory_space<semaphore_mem>>) src(%arg9 : memref<128x128xf32, #tpu.memory_space<vmem>>) dst(%dma_wait3A_37 : memref<128x128xf32, #tpu.memory_space<vmem_shared>>)
      tpu.yield
    }) : () -> ()
    %add3A_8 = arith.constant 128 : i32
    %add3A_9 = arith.addi %mul3A_0, %add3A_8 : i32
    "tpu.region"() ({
      %run_scoped3A = tpu.sem_alloc : memref<!tpu.dma_semaphore, #tpu.memory_space<semaphore_mem>>
      %dma_start3A = arith.constant 0 : i32
      %dma_start3A_32 = tpu.memref_slice %arg11[%add3A_9, %dma_start3A] : memref<10240x128xf32, #tpu.memory_space<vmem_shared>> -> memref<128x128xf32, #tpu.memory_space<vmem_shared>>
      %dma_start3A_33 = arith.constant 0 : i32
      %dma_start3A_34 = tpu.memref_slice %arg11[%add3A_9, %dma_start3A_33] : memref<10240x128xf32, #tpu.memory_space<vmem_shared>> -> memref<128x128xf32, #tpu.memory_space<vmem_shared>>
      tpu.enqueue_dma source(%arg9 : memref<128x128xf32, #tpu.memory_space<vmem>>) target(%dma_start3A_34 : memref<128x128xf32, #tpu.memory_space<vmem_shared>>) target_semaphore(%run_scoped3A : memref<!tpu.dma_semaphore, #tpu.memory_space<semaphore_mem>>)
      %dma_wait3A = arith.constant 0 : i32
      %dma_wait3A_35 = tpu.memref_slice %arg11[%add3A_9, %dma_wait3A] : memref<10240x128xf32, #tpu.memory_space<vmem_shared>> -> memref<128x128xf32, #tpu.memory_space<vmem_shared>>
      %dma_wait3A_36 = arith.constant 0 : i32
      %dma_wait3A_37 = tpu.memref_slice %arg11[%add3A_9, %dma_wait3A_36] : memref<10240x128xf32, #tpu.memory_space<vmem_shared>> -> memref<128x128xf32, #tpu.memory_space<vmem_shared>>
      tpu.wait_dma2 semaphore(%run_scoped3A : memref<!tpu.dma_semaphore, #tpu.memory_space<semaphore_mem>>) src(%arg9 : memref<128x128xf32, #tpu.memory_space<vmem>>) dst(%dma_wait3A_37 : memref<128x128xf32, #tpu.memory_space<vmem_shared>>)
      tpu.yield
    }) : () -> ()
    %add3A_10 = arith.constant 256 : i32
    %add3A_11 = arith.addi %mul3A_0, %add3A_10 : i32
    "tpu.region"() ({
      %run_scoped3A = tpu.sem_alloc : memref<!tpu.dma_semaphore, #tpu.memory_space<semaphore_mem>>
      %dma_start3A = arith.constant 0 : i32
      %dma_start3A_32 = tpu.memref_slice %arg11[%add3A_11, %dma_start3A] : memref<10240x128xf32, #tpu.memory_space<vmem_shared>> -> memref<128x128xf32, #tpu.memory_space<vmem_shared>>
      %dma_start3A_33 = arith.constant 0 : i32
      %dma_start3A_34 = tpu.memref_slice %arg11[%add3A_11, %dma_start3A_33] : memref<10240x128xf32, #tpu.memory_space<vmem_shared>> -> memref<128x128xf32, #tpu.memory_space<vmem_shared>>
      tpu.enqueue_dma source(%arg9 : memref<128x128xf32, #tpu.memory_space<vmem>>) target(%dma_start3A_34 : memref<128x128xf32, #tpu.memory_space<vmem_shared>>) target_semaphore(%run_scoped3A : memref<!tpu.dma_semaphore, #tpu.memory_space<semaphore_mem>>)
      %dma_wait3A = arith.constant 0 : i32
      %dma_wait3A_35 = tpu.memref_slice %arg11[%add3A_11, %dma_wait3A] : memref<10240x128xf32, #tpu.memory_space<vmem_shared>> -> memref<128x128xf32, #tpu.memory_space<vmem_shared>>
      %dma_wait3A_36 = arith.constant 0 : i32
      %dma_wait3A_37 = tpu.memref_slice %arg11[%add3A_11, %dma_wait3A_36] : memref<10240x128xf32, #tpu.memory_space<vmem_shared>> -> memref<128x128xf32, #tpu.memory_space<vmem_shared>>
      tpu.wait_dma2 semaphore(%run_scoped3A : memref<!tpu.dma_semaphore, #tpu.memory_space<semaphore_mem>>) src(%arg9 : memref<128x128xf32, #tpu.memory_space<vmem>>) dst(%dma_wait3A_37 : memref<128x128xf32, #tpu.memory_space<vmem_shared>>)
      tpu.yield
    }) : () -> ()
    %add3A_12 = arith.constant 384 : i32
    %add3A_13 = arith.addi %mul3A_0, %add3A_12 : i32
    "tpu.region"() ({
      %run_scoped3A = tpu.sem_alloc : memref<!tpu.dma_semaphore, #tpu.memory_space<semaphore_mem>>
      %dma_start3A = arith.constant 0 : i32
      %dma_start3A_32 = tpu.memref_slice %arg11[%add3A_13, %dma_start3A] : memref<10240x128xf32, #tpu.memory_space<vmem_shared>> -> memref<128x128xf32, #tpu.memory_space<vmem_shared>>
      %dma_start3A_33 = arith.constant 0 : i32
      %dma_start3A_34 = tpu.memref_slice %arg11[%add3A_13, %dma_start3A_33] : memref<10240x128xf32, #tpu.memory_space<vmem_shared>> -> memref<128x128xf32, #tpu.memory_space<vmem_shared>>
      tpu.enqueue_dma source(%arg9 : memref<128x128xf32, #tpu.memory_space<vmem>>) target(%dma_start3A_34 : memref<128x128xf32, #tpu.memory_space<vmem_shared>>) target_semaphore(%run_scoped3A : memref<!tpu.dma_semaphore, #tpu.memory_space<semaphore_mem>>)
      %dma_wait3A = arith.constant 0 : i32
      %dma_wait3A_35 = tpu.memref_slice %arg11[%add3A_13, %dma_wait3A] : memref<10240x128xf32, #tpu.memory_space<vmem_shared>> -> memref<128x128xf32, #tpu.memory_space<vmem_shared>>
      %dma_wait3A_36 = arith.constant 0 : i32
      %dma_wait3A_37 = tpu.memref_slice %arg11[%add3A_13, %dma_wait3A_36] : memref<10240x128xf32, #tpu.memory_space<vmem_shared>> -> memref<128x128xf32, #tpu.memory_space<vmem_shared>>
      tpu.wait_dma2 semaphore(%run_scoped3A : memref<!tpu.dma_semaphore, #tpu.memory_space<semaphore_mem>>) src(%arg9 : memref<128x128xf32, #tpu.memory_space<vmem>>) dst(%dma_wait3A_37 : memref<128x128xf32, #tpu.memory_space<vmem_shared>>)
      tpu.yield
    }) : () -> ()
    %add3A_14 = arith.constant 512 : i32
    %add3A_15 = arith.addi %mul3A_0, %add3A_14 : i32
    "tpu.region"() ({
      %run_scoped3A = tpu.sem_alloc : memref<!tpu.dma_semaphore, #tpu.memory_space<semaphore_mem>>
      %dma_start3A = arith.constant 0 : i32
      %dma_start3A_32 = tpu.memref_slice %arg11[%add3A_15, %dma_start3A] : memref<10240x128xf32, #tpu.memory_space<vmem_shared>> -> memref<128x128xf32, #tpu.memory_space<vmem_shared>>
      %dma_start3A_33 = arith.constant 0 : i32
      %dma_start3A_34 = tpu.memref_slice %arg11[%add3A_15, %dma_start3A_33] : memref<10240x128xf32, #tpu.memory_space<vmem_shared>> -> memref<128x128xf32, #tpu.memory_space<vmem_shared>>
      tpu.enqueue_dma source(%arg9 : memref<128x128xf32, #tpu.memory_space<vmem>>) target(%dma_start3A_34 : memref<128x128xf32, #tpu.memory_space<vmem_shared>>) target_semaphore(%run_scoped3A : memref<!tpu.dma_semaphore, #tpu.memory_space<semaphore_mem>>)
      %dma_wait3A = arith.constant 0 : i32
      %dma_wait3A_35 = tpu.memref_slice %arg11[%add3A_15, %dma_wait3A] : memref<10240x128xf32, #tpu.memory_space<vmem_shared>> -> memref<128x128xf32, #tpu.memory_space<vmem_shared>>
      %dma_wait3A_36 = arith.constant 0 : i32
      %dma_wait3A_37 = tpu.memref_slice %arg11[%add3A_15, %dma_wait3A_36] : memref<10240x128xf32, #tpu.memory_space<vmem_shared>> -> memref<128x128xf32, #tpu.memory_space<vmem_shared>>
      tpu.wait_dma2 semaphore(%run_scoped3A : memref<!tpu.dma_semaphore, #tpu.memory_space<semaphore_mem>>) src(%arg9 : memref<128x128xf32, #tpu.memory_space<vmem>>) dst(%dma_wait3A_37 : memref<128x128xf32, #tpu.memory_space<vmem_shared>>)
      tpu.yield
    }) : () -> ()
    %scan3A_16 = arith.constant 0 : i32
    %scan3A_17 = arith.constant 0 : i32
    %scan3A_18 = arith.constant 640 : i32
    %scan3A_19 = arith.addi %scan3A_17, %scan3A_18 : i32
    %scan3A_20 = arith.constant 1 : i32
    %scan3A_21 = scf.for %scan3A_32 = %scan3A_17 to %scan3A_19 step %scan3A_20 iter_args(%scan3A_33 = %scan3A_16) -> (i32)  : i32 {
      %broadcast_in_dim3A_34 = arith.constant 0.000000e+00 : f32
      %broadcast_in_dim3A_35 = vector.broadcast %broadcast_in_dim3A_34 : f32 to vector<16xf32>
      %mul3A_36 = arith.constant 16 : i32
      %mul3A_37 = arith.muli %scan3A_32, %mul3A_36 : i32
      %swap3A = arith.index_cast %mul3A_37 : i32 to index
      %swap3A_38 = tpu.vector_load %arg10[%swap3A] {strides = array<i32>} : memref<10240xf32, #tpu.memory_space<vmem>>, vector<16xf32>,
      tpu.vector_store %arg10[%swap3A], %broadcast_in_dim3A_35 {strides = array<i32>} : memref<10240xf32, #tpu.memory_space<vmem>>, vector<16xf32>,
      %scan3A_39 = arith.constant 0 : i32
      scf.yield %scan3A_39 : i32
    }
    %scan3A_22 = arith.constant 640 : i32
    %barrier3A = arith.constant 0 : index
    tpu.barrier barrier_id(%barrier3A)
    %broadcast_in_dim3A = arith.constant 1.000000e+00 : f32
    %broadcast_in_dim3A_23 = vector.broadcast %broadcast_in_dim3A : f32 to vector<16xf32>
    %scan3A_24 = arith.constant 0 : i32
    %scan3A_25 = arith.constant 0 : i32
    %scan3A_26 = arith.constant 5 : i32
    %scan3A_27 = arith.addi %scan3A_25, %scan3A_26 : i32
    %scan3A_28 = arith.constant 1 : i32
    %scan3A_29 = scf.for %scan3A_32 = %scan3A_25 to %scan3A_27 step %scan3A_28 iter_args(%scan3A_33 = %scan3A_24) -> (i32)  : i32 {
      "tpu.region"() ({
        %run_scoped3A = tpu.sem_alloc : memref<!tpu.dma_semaphore, #tpu.memory_space<semaphore_mem>>
        %dma_start3A = arith.constant 0 : i32
        %dma_start3A_42 = arith.constant 0 : i32
        %dma_start3A_43 = tpu.memref_slice %arg3[%arg0, %arg1, %scan3A_32, %dma_start3A, %dma_start3A_42] : memref<2x16x5x16x128xi32, #tpu.memory_space<hbm>> -> memref<1x1x1x16x128xi32, #tpu.memory_space<hbm>>
        %dma_start3A_44 = tpu.memref_squeeze %dma_start3A_43 : memref<1x1x1x16x128xi32, #tpu.memory_space<hbm>> -> memref<16x128xi32, #tpu.memory_space<hbm>>
        %dma_start3A_45 = arith.constant 0 : i32
        %dma_start3A_46 = arith.constant 0 : i32
        %dma_start3A_47 = tpu.memref_slice %arg3[%arg0, %arg1, %scan3A_32, %dma_start3A_45, %dma_start3A_46] : memref<2x16x5x16x128xi32, #tpu.memory_space<hbm>> -> memref<1x1x1x16x128xi32, #tpu.memory_space<hbm>>
        %dma_start3A_48 = tpu.memref_squeeze %dma_start3A_47 : memref<1x1x1x16x128xi32, #tpu.memory_space<hbm>> -> memref<16x128xi32, #tpu.memory_space<hbm>>
        tpu.enqueue_dma source(%dma_start3A_48 : memref<16x128xi32, #tpu.memory_space<hbm>>) target(%arg7 : memref<16x128xi32, #tpu.memory_space<vmem>>) target_semaphore(%run_scoped3A : memref<!tpu.dma_semaphore, #tpu.memory_space<semaphore_mem>>)
        %dma_wait3A = arith.constant 0 : i32
        %dma_wait3A_49 = arith.constant 0 : i32
        %dma_wait3A_50 = tpu.memref_slice %arg3[%arg0, %arg1, %scan3A_32, %dma_wait3A, %dma_wait3A_49] : memref<2x16x5x16x128xi32, #tpu.memory_space<hbm>> -> memref<1x1x1x16x128xi32, #tpu.memory_space<hbm>>
        %dma_wait3A_51 = tpu.memref_squeeze %dma_wait3A_50 : memref<1x1x1x16x128xi32, #tpu.memory_space<hbm>> -> memref<16x128xi32, #tpu.memory_space<hbm>>
        %dma_wait3A_52 = arith.constant 0 : i32
        %dma_wait3A_53 = arith.constant 0 : i32
        %dma_wait3A_54 = tpu.memref_slice %arg3[%arg0, %arg1, %scan3A_32, %dma_wait3A_52, %dma_wait3A_53] : memref<2x16x5x16x128xi32, #tpu.memory_space<hbm>> -> memref<1x1x1x16x128xi32, #tpu.memory_space<hbm>>
        %dma_wait3A_55 = tpu.memref_squeeze %dma_wait3A_54 : memref<1x1x1x16x128xi32, #tpu.memory_space<hbm>> -> memref<16x128xi32, #tpu.memory_space<hbm>>
        tpu.wait_dma2 semaphore(%run_scoped3A : memref<!tpu.dma_semaphore, #tpu.memory_space<semaphore_mem>>) src(%dma_wait3A_55 : memref<16x128xi32, #tpu.memory_space<hbm>>) dst(%arg7 : memref<16x128xi32, #tpu.memory_space<vmem>>)
        tpu.yield
      }) : () -> ()
      "tpu.region"() ({
        %run_scoped3A = tpu.sem_alloc : memref<!tpu.dma_semaphore, #tpu.memory_space<semaphore_mem>>
        %dma_start3A = arith.constant 0 : i32
        %dma_start3A_42 = arith.constant 0 : i32
        %dma_start3A_43 = tpu.memref_slice %arg4[%arg0, %arg1, %scan3A_32, %dma_start3A, %dma_start3A_42] : memref<2x16x5x16x128xi32, #tpu.memory_space<hbm>> -> memref<1x1x1x16x128xi32, #tpu.memory_space<hbm>>
        %dma_start3A_44 = tpu.memref_squeeze %dma_start3A_43 : memref<1x1x1x16x128xi32, #tpu.memory_space<hbm>> -> memref<16x128xi32, #tpu.memory_space<hbm>>
        %dma_start3A_45 = arith.constant 0 : i32
        %dma_start3A_46 = arith.constant 0 : i32
        %dma_start3A_47 = tpu.memref_slice %arg4[%arg0, %arg1, %scan3A_32, %dma_start3A_45, %dma_start3A_46] : memref<2x16x5x16x128xi32, #tpu.memory_space<hbm>> -> memref<1x1x1x16x128xi32, #tpu.memory_space<hbm>>
        %dma_start3A_48 = tpu.memref_squeeze %dma_start3A_47 : memref<1x1x1x16x128xi32, #tpu.memory_space<hbm>> -> memref<16x128xi32, #tpu.memory_space<hbm>>
        tpu.enqueue_dma source(%dma_start3A_48 : memref<16x128xi32, #tpu.memory_space<hbm>>) target(%arg8 : memref<16x128xi32, #tpu.memory_space<vmem>>) target_semaphore(%run_scoped3A : memref<!tpu.dma_semaphore, #tpu.memory_space<semaphore_mem>>)
        %dma_wait3A = arith.constant 0 : i32
        %dma_wait3A_49 = arith.constant 0 : i32
        %dma_wait3A_50 = tpu.memref_slice %arg4[%arg0, %arg1, %scan3A_32, %dma_wait3A, %dma_wait3A_49] : memref<2x16x5x16x128xi32, #tpu.memory_space<hbm>> -> memref<1x1x1x16x128xi32, #tpu.memory_space<hbm>>
        %dma_wait3A_51 = tpu.memref_squeeze %dma_wait3A_50 : memref<1x1x1x16x128xi32, #tpu.memory_space<hbm>> -> memref<16x128xi32, #tpu.memory_space<hbm>>
        %dma_wait3A_52 = arith.constant 0 : i32
        %dma_wait3A_53 = arith.constant 0 : i32
        %dma_wait3A_54 = tpu.memref_slice %arg4[%arg0, %arg1, %scan3A_32, %dma_wait3A_52, %dma_wait3A_53] : memref<2x16x5x16x128xi32, #tpu.memory_space<hbm>> -> memref<1x1x1x16x128xi32, #tpu.memory_space<hbm>>
        %dma_wait3A_55 = tpu.memref_squeeze %dma_wait3A_54 : memref<1x1x1x16x128xi32, #tpu.memory_space<hbm>> -> memref<16x128xi32, #tpu.memory_space<hbm>>
        tpu.wait_dma2 semaphore(%run_scoped3A : memref<!tpu.dma_semaphore, #tpu.memory_space<semaphore_mem>>) src(%dma_wait3A_55 : memref<16x128xi32, #tpu.memory_space<hbm>>) dst(%arg8 : memref<16x128xi32, #tpu.memory_space<vmem>>)
        tpu.yield
      }) : () -> ()
      %scan3A_34 = arith.constant 0 : i32
      %scan3A_35 = arith.constant 0 : i32
      %scan3A_36 = arith.constant 16 : i32
      %scan3A_37 = arith.addi %scan3A_35, %scan3A_36 : i32
      %scan3A_38 = arith.constant 1 : i32
      %scan3A_39 = scf.for %scan3A_42 = %scan3A_35 to %scan3A_37 step %scan3A_38 iter_args(%scan3A_43 = %scan3A_34) -> (i32)  : i32 {
        %dma_start3A = arith.constant 0 : i32
        %dma_start3A_44 = tpu.memref_slice %arg7[%scan3A_42, %dma_start3A] : memref<16x128xi32, #tpu.memory_space<vmem>> -> memref<1x128xi32, #tpu.memory_space<vmem>>
        %dma_start3A_45 = tpu.memref_squeeze %dma_start3A_44 : memref<1x128xi32, #tpu.memory_space<vmem>> -> memref<128xi32, #tpu.memory_space<vmem>>
        %dma_start3A_46 = arith.constant 0 : i32
        %dma_start3A_47 = arith.constant 0 : i32
        %dma_start3A_48 = tpu.memref_slice %arg2[%dma_start3A_46, %dma_start3A_47] : memref<10000x128xf32, #tpu.memory_space<hbm>> -> memref<10000x128xf32, #tpu.memory_space<hbm>>
        tpu.enqueue_indirect_dma source(%dma_start3A_48 : memref<10000x128xf32, #tpu.memory_space<hbm>>) target(%arg9 : memref<128x128xf32, #tpu.memory_space<vmem>>) offsets(%dma_start3A_45 : memref<128xi32, #tpu.memory_space<vmem>>) semaphore(%arg12 : memref<!tpu.dma_semaphore, #tpu.memory_space<semaphore_mem>>)
        %get3A = arith.index_cast %scan3A_42 : i32 to index
        %get3A_49 = arith.constant 0 : index
        %get3A_50 = tpu.vector_load %arg8[%get3A, %get3A_49] {strides = array<i32>} : memref<16x128xi32, #tpu.memory_space<vmem>>, vector<16xi32>,
        tpu.vector_store_idx %arg10[%get3A_50], %broadcast_in_dim3A_23 {add = true} : memref<10240xf32, #tpu.memory_space<vmem>>[vector<16xi32>], vector<16xf32>,
        %get3A_51 = arith.index_cast %scan3A_42 : i32 to index
        %get3A_52 = arith.constant 16 : index
        %get3A_53 = tpu.vector_load %arg8[%get3A_51, %get3A_52] {strides = array<i32>} : memref<16x128xi32, #tpu.memory_space<vmem>>, vector<16xi32>,
        tpu.vector_store_idx %arg10[%get3A_53], %broadcast_in_dim3A_23 {add = true} : memref<10240xf32, #tpu.memory_space<vmem>>[vector<16xi32>], vector<16xf32>,
        %get3A_54 = arith.index_cast %scan3A_42 : i32 to index
        %get3A_55 = arith.constant 32 : index
        %get3A_56 = tpu.vector_load %arg8[%get3A_54, %get3A_55] {strides = array<i32>} : memref<16x128xi32, #tpu.memory_space<vmem>>, vector<16xi32>,
        tpu.vector_store_idx %arg10[%get3A_56], %broadcast_in_dim3A_23 {add = true} : memref<10240xf32, #tpu.memory_space<vmem>>[vector<16xi32>], vector<16xf32>,
        %get3A_57 = arith.index_cast %scan3A_42 : i32 to index
        %get3A_58 = arith.constant 48 : index
        %get3A_59 = tpu.vector_load %arg8[%get3A_57, %get3A_58] {strides = array<i32>} : memref<16x128xi32, #tpu.memory_space<vmem>>, vector<16xi32>,
        tpu.vector_store_idx %arg10[%get3A_59], %broadcast_in_dim3A_23 {add = true} : memref<10240xf32, #tpu.memory_space<vmem>>[vector<16xi32>], vector<16xf32>,
        %get3A_60 = arith.index_cast %scan3A_42 : i32 to index
        %get3A_61 = arith.constant 64 : index
        %get3A_62 = tpu.vector_load %arg8[%get3A_60, %get3A_61] {strides = array<i32>} : memref<16x128xi32, #tpu.memory_space<vmem>>, vector<16xi32>,
        tpu.vector_store_idx %arg10[%get3A_62], %broadcast_in_dim3A_23 {add = true} : memref<10240xf32, #tpu.memory_space<vmem>>[vector<16xi32>], vector<16xf32>,
        %get3A_63 = arith.index_cast %scan3A_42 : i32 to index
        %get3A_64 = arith.constant 80 : index
        %get3A_65 = tpu.vector_load %arg8[%get3A_63, %get3A_64] {strides = array<i32>} : memref<16x128xi32, #tpu.memory_space<vmem>>, vector<16xi32>,
        tpu.vector_store_idx %arg10[%get3A_65], %broadcast_in_dim3A_23 {add = true} : memref<10240xf32, #tpu.memory_space<vmem>>[vector<16xi32>], vector<16xf32>,
        %get3A_66 = arith.index_cast %scan3A_42 : i32 to index
        %get3A_67 = arith.constant 96 : index
        %get3A_68 = tpu.vector_load %arg8[%get3A_66, %get3A_67] {strides = array<i32>} : memref<16x128xi32, #tpu.memory_space<vmem>>, vector<16xi32>,
        tpu.vector_store_idx %arg10[%get3A_68], %broadcast_in_dim3A_23 {add = true} : memref<10240xf32, #tpu.memory_space<vmem>>[vector<16xi32>], vector<16xf32>,
        %get3A_69 = arith.index_cast %scan3A_42 : i32 to index
        %get3A_70 = arith.constant 112 : index
        %get3A_71 = tpu.vector_load %arg8[%get3A_69, %get3A_70] {strides = array<i32>} : memref<16x128xi32, #tpu.memory_space<vmem>>, vector<16xi32>,
        tpu.vector_store_idx %arg10[%get3A_71], %broadcast_in_dim3A_23 {add = true} : memref<10240xf32, #tpu.memory_space<vmem>>[vector<16xi32>], vector<16xf32>,
        %dma_wait3A = arith.constant 0 : i32
        %dma_wait3A_72 = tpu.memref_slice %arg7[%scan3A_42, %dma_wait3A] : memref<16x128xi32, #tpu.memory_space<vmem>> -> memref<1x128xi32, #tpu.memory_space<vmem>>
        %dma_wait3A_73 = tpu.memref_squeeze %dma_wait3A_72 : memref<1x128xi32, #tpu.memory_space<vmem>> -> memref<128xi32, #tpu.memory_space<vmem>>
        %dma_wait3A_74 = arith.constant 0 : i32
        %dma_wait3A_75 = arith.constant 0 : i32
        %dma_wait3A_76 = tpu.memref_slice %arg2[%dma_wait3A_74, %dma_wait3A_75] : memref<10000x128xf32, #tpu.memory_space<hbm>> -> memref<10000x128xf32, #tpu.memory_space<hbm>>
        tpu.wait_indirect_dma semaphore(%arg12 : memref<!tpu.dma_semaphore, #tpu.memory_space<semaphore_mem>>) src(%dma_wait3A_76 : memref<10000x128xf32, #tpu.memory_space<hbm>>) dst(%arg9 : memref<128x128xf32, #tpu.memory_space<vmem>>)
        "tpu.region"() ({
          %run_scoped3A = tpu.sem_alloc : memref<!tpu.dma_semaphore, #tpu.memory_space<semaphore_mem>>
          %dma_start3A_78 = arith.constant 0 : i32
          %dma_start3A_79 = tpu.memref_slice %arg8[%scan3A_42, %dma_start3A_78] : memref<16x128xi32, #tpu.memory_space<vmem>> -> memref<1x128xi32, #tpu.memory_space<vmem>>
          %dma_start3A_80 = tpu.memref_squeeze %dma_start3A_79 : memref<1x128xi32, #tpu.memory_space<vmem>> -> memref<128xi32, #tpu.memory_space<vmem>>
          %dma_start3A_81 = arith.constant 0 : i32
          %dma_start3A_82 = arith.constant 0 : i32
          %dma_start3A_83 = tpu.memref_slice %arg11[%dma_start3A_81, %dma_start3A_82] : memref<10240x128xf32, #tpu.memory_space<vmem_shared>> -> memref<10240x128xf32, #tpu.memory_space<vmem_shared>>
          tpu.enqueue_indirect_dma source(%arg9 : memref<128x128xf32, #tpu.memory_space<vmem>>) target(%dma_start3A_83 : memref<10240x128xf32, #tpu.memory_space<vmem_shared>>) offsets(%dma_start3A_80 : memref<128xi32, #tpu.memory_space<vmem>>) semaphore(%run_scoped3A : memref<!tpu.dma_semaphore, #tpu.memory_space<semaphore_mem>>) {add = true}
          %dma_wait3A_84 = arith.constant 0 : i32
          %dma_wait3A_85 = tpu.memref_slice %arg8[%scan3A_42, %dma_wait3A_84] : memref<16x128xi32, #tpu.memory_space<vmem>> -> memref<1x128xi32, #tpu.memory_space<vmem>>
          %dma_wait3A_86 = tpu.memref_squeeze %dma_wait3A_85 : memref<1x128xi32, #tpu.memory_space<vmem>> -> memref<128xi32, #tpu.memory_space<vmem>>
          %dma_wait3A_87 = arith.constant 0 : i32
          %dma_wait3A_88 = arith.constant 0 : i32
          %dma_wait3A_89 = tpu.memref_slice %arg11[%dma_wait3A_87, %dma_wait3A_88] : memref<10240x128xf32, #tpu.memory_space<vmem_shared>> -> memref<10240x128xf32, #tpu.memory_space<vmem_shared>>
          tpu.wait_indirect_dma semaphore(%run_scoped3A : memref<!tpu.dma_semaphore, #tpu.memory_space<semaphore_mem>>) src(%arg9 : memref<128x128xf32, #tpu.memory_space<vmem>>) dst(%dma_wait3A_89 : memref<10240x128xf32, #tpu.memory_space<vmem_shared>>)
          tpu.yield
        }) : () -> ()
        %scan3A_77 = arith.constant 0 : i32
        scf.yield %scan3A_77 : i32
      }
      %scan3A_40 = arith.constant 16 : i32
      %scan3A_41 = arith.constant 0 : i32
      scf.yield %scan3A_41 : i32
    }
    %scan3A_30 = arith.constant 5 : i32
    %barrier3A_31 = arith.constant 0 : index
    tpu.barrier barrier_id(%barrier3A_31)
    "tpu.region"() ({
      %run_scoped3A = tpu.sem_alloc : memref<!tpu.dma_semaphore, #tpu.memory_space<semaphore_mem>>
      %dma_start3A = arith.constant 0 : i32
      %dma_start3A_32 = tpu.memref_slice %arg5[%arg0, %mul3A_0, %dma_start3A] : memref<2x10240x128xf32, #tpu.memory_space<hbm>> -> memref<1x640x128xf32, #tpu.memory_space<hbm>>
      %dma_start3A_33 = tpu.memref_squeeze %dma_start3A_32 : memref<1x640x128xf32, #tpu.memory_space<hbm>> -> memref<640x128xf32, #tpu.memory_space<hbm>>
      %dma_start3A_34 = arith.constant 0 : i32
      %dma_start3A_35 = tpu.memref_slice %arg11[%mul3A_0, %dma_start3A_34] : memref<10240x128xf32, #tpu.memory_space<vmem_shared>> -> memref<640x128xf32, #tpu.memory_space<vmem_shared>>
      tpu.enqueue_dma source(%dma_start3A_35 : memref<640x128xf32, #tpu.memory_space<vmem_shared>>) target(%dma_start3A_33 : memref<640x128xf32, #tpu.memory_space<hbm>>) target_semaphore(%run_scoped3A : memref<!tpu.dma_semaphore, #tpu.memory_space<semaphore_mem>>)
      %dma_wait3A = arith.constant 0 : i32
      %dma_wait3A_36 = tpu.memref_slice %arg5[%arg0, %mul3A_0, %dma_wait3A] : memref<2x10240x128xf32, #tpu.memory_space<hbm>> -> memref<1x640x128xf32, #tpu.memory_space<hbm>>
      %dma_wait3A_37 = tpu.memref_squeeze %dma_wait3A_36 : memref<1x640x128xf32, #tpu.memory_space<hbm>> -> memref<640x128xf32, #tpu.memory_space<hbm>>
      %dma_wait3A_38 = arith.constant 0 : i32
      %dma_wait3A_39 = tpu.memref_slice %arg11[%mul3A_0, %dma_wait3A_38] : memref<10240x128xf32, #tpu.memory_space<vmem_shared>> -> memref<640x128xf32, #tpu.memory_space<vmem_shared>>
      tpu.wait_dma2 semaphore(%run_scoped3A : memref<!tpu.dma_semaphore, #tpu.memory_space<semaphore_mem>>) src(%dma_wait3A_39 : memref<640x128xf32, #tpu.memory_space<vmem_shared>>) dst(%dma_wait3A_37 : memref<640x128xf32, #tpu.memory_space<hbm>>)
      tpu.yield
    }) : () -> ()
    "tpu.region"() ({
      %run_scoped3A = tpu.sem_alloc : memref<!tpu.dma_semaphore, #tpu.memory_space<semaphore_mem>>
      %dma_start3A = arith.constant 0 : i32
      %dma_start3A_32 = tpu.memref_slice %arg6[%arg0, %arg1, %dma_start3A] : memref<2x16x10240xf32, #tpu.memory_space<hbm>> -> memref<1x1x10240xf32, #tpu.memory_space<hbm>>
      %dma_start3A_33 = tpu.memref_squeeze %dma_start3A_32 : memref<1x1x10240xf32, #tpu.memory_space<hbm>> -> memref<10240xf32, #tpu.memory_space<hbm>>
      %dma_start3A_34 = arith.constant 0 : i32
      %dma_start3A_35 = tpu.memref_slice %arg6[%arg0, %arg1, %dma_start3A_34] : memref<2x16x10240xf32, #tpu.memory_space<hbm>> -> memref<1x1x10240xf32, #tpu.memory_space<hbm>>
      %dma_start3A_36 = tpu.memref_squeeze %dma_start3A_35 : memref<1x1x10240xf32, #tpu.memory_space<hbm>> -> memref<10240xf32, #tpu.memory_space<hbm>>
      tpu.enqueue_dma source(%arg10 : memref<10240xf32, #tpu.memory_space<vmem>>) target(%dma_start3A_36 : memref<10240xf32, #tpu.memory_space<hbm>>) target_semaphore(%run_scoped3A : memref<!tpu.dma_semaphore, #tpu.memory_space<semaphore_mem>>)
      %dma_wait3A = arith.constant 0 : i32
      %dma_wait3A_37 = tpu.memref_slice %arg6[%arg0, %arg1, %dma_wait3A] : memref<2x16x10240xf32, #tpu.memory_space<hbm>> -> memref<1x1x10240xf32, #tpu.memory_space<hbm>>
      %dma_wait3A_38 = tpu.memref_squeeze %dma_wait3A_37 : memref<1x1x10240xf32, #tpu.memory_space<hbm>> -> memref<10240xf32, #tpu.memory_space<hbm>>
      %dma_wait3A_39 = arith.constant 0 : i32
      %dma_wait3A_40 = tpu.memref_slice %arg6[%arg0, %arg1, %dma_wait3A_39] : memref<2x16x10240xf32, #tpu.memory_space<hbm>> -> memref<1x1x10240xf32, #tpu.memory_space<hbm>>
      %dma_wait3A_41 = tpu.memref_squeeze %dma_wait3A_40 : memref<1x1x10240xf32, #tpu.memory_space<hbm>> -> memref<10240xf32, #tpu.memory_space<hbm>>
      tpu.wait_dma2 semaphore(%run_scoped3A : memref<!tpu.dma_semaphore, #tpu.memory_space<semaphore_mem>>) src(%arg10 : memref<10240xf32, #tpu.memory_space<vmem>>) dst(%dma_wait3A_41 : memref<10240xf32, #tpu.memory_space<hbm>>)
      tpu.yield
    }) : () -> ()
    return
  }
}

module attributes {stable_mosaic.version = 14 : i64} {
  func.func @body(%arg0: i32, %arg1: memref<2x1000x128xf32, #tpu.memory_space<vmem>>, %arg2: memref<1000x32xf32, #tpu.memory_space<vmem>>, %arg3: memref<1000x128xf32, #tpu.memory_space<vmem>>, %arg4: memref<128x128xf32, #tpu.memory_space<vmem>>, %arg5: memref<128x128xf32, #tpu.memory_space<vmem>>, %arg6: memref<1x128xf32, #tpu.memory_space<vmem>>, %arg7: memref<1000x128xf32, #tpu.memory_space<vmem>>, %arg8: memref<2x128xf32, #tpu.memory_space<vmem>>, %arg9: memref<2x128xf32, #tpu.memory_space<vmem>>) attributes {dimension_semantics = [#tpu.dimension_semantics<arbitrary>], iteration_bounds = array<i64: 10>, scalar_prefetch = 0 : i64, scratch_operands = 1 : i64, tpu.core_type = #tpu.core_type<tc>, window_params = [{transform_indices = @transform_0, window_bounds = array<i64: 2, 1000, 128>}, {transform_indices = @transform_1, window_bounds = array<i64: 1000, 32>}, {transform_indices = @transform_2, window_bounds = array<i64: 1000, 128>}, {pipeline_mode = #tpu.pipeline_mode<synchronous>, transform_indices = @transform_3, window_bounds = array<i64: 128, 128>}, {pipeline_mode = #tpu.pipeline_mode<synchronous>, transform_indices = @transform_4, window_bounds = array<i64: 128, 128>}, {pipeline_mode = #tpu.pipeline_mode<synchronous>, transform_indices = @transform_5, window_bounds = array<i64: 1, 128>}, {transform_indices = @transform_6, window_bounds = array<i64: 1000, 128>}, {pipeline_mode = #tpu.pipeline_mode<synchronous>, transform_indices = @transform_7, window_bounds = array<i64: 2, 128>}]} {
    %get3A = arith.constant 0 : index
    %get3A_0 = arith.constant 0 : index
    %get3A_1 = arith.constant 0 : index
    %get3A_2 = vector.load %arg1[%get3A, %get3A_0, %get3A_1] : memref<2x1000x128xf32, #tpu.memory_space<vmem>>, vector<1x1000x128xf32>
    %get3A_3 = vector.shape_cast %get3A_2 : vector<1x1000x128xf32> to vector<1000x128xf32>
    %get3A_4 = arith.constant 1 : index
    %get3A_5 = arith.constant 0 : index
    %get3A_6 = arith.constant 0 : index
    %get3A_7 = vector.load %arg1[%get3A_4, %get3A_5, %get3A_6] : memref<2x1000x128xf32, #tpu.memory_space<vmem>>, vector<1x1000x128xf32>
    %get3A_8 = vector.shape_cast %get3A_7 : vector<1x1000x128xf32> to vector<1000x128xf32>
    %add3A = arith.addf %get3A_3, %get3A_8 : vector<1000x128xf32>
    %get3A_9 = arith.constant 0 : index
    %get3A_10 = arith.constant 0 : index
    %get3A_11 = vector.load %arg2[%get3A_9, %get3A_10] : memref<1000x32xf32, #tpu.memory_space<vmem>>, vector<1000x32xf32>
    %reduce_sum3A = arith.constant dense<0.000000e+00> : vector<1000xf32>
    %reduce_sum3A_12 = vector.multi_reduction <add>, %get3A_11, %reduce_sum3A [1] : vector<1000x32xf32> to vector<1000xf32>
    %broadcast_in_dim3A = vector.shape_cast %reduce_sum3A_12 : vector<1000xf32> to vector<1000x1xf32>
    %max3A = arith.constant 1.000000e+00 : f32
    %max3A_13 = vector.broadcast %max3A : f32 to vector<1000x1xf32>
    %max3A_14 = arith.maximumf %broadcast_in_dim3A, %max3A_13 : vector<1000x1xf32>
    %div3A = vector.broadcast %max3A_14 : vector<1000x1xf32> to vector<1000x128xf32>
    %div3A_15 = arith.divf %add3A, %div3A : vector<1000x128xf32>
    %get3A_16 = arith.constant 0 : index
    %get3A_17 = arith.constant 0 : index
    %get3A_18 = vector.load %arg4[%get3A_16, %get3A_17] : memref<128x128xf32, #tpu.memory_space<vmem>>, vector<128x128xf32>
    %dot_general3A = arith.constant dense<0.000000e+00> : vector<1000x128xf32>
    %dot_general3A_19 = tpu.matmul %div3A_15, %get3A_18, %dot_general3A {dimension_numbers = #tpu.dot_dimension_numbers<[1], [0], [0], [1], [0, 0, 1, 1], [], []>, transpose_lhs_hint = false} : vector<1000x128xf32>, vector<128x128xf32>, vector<1000x128xf32> -> vector<1000x128xf32>
    %get3A_20 = arith.constant 0 : index
    %get3A_21 = arith.constant 0 : index
    %get3A_22 = vector.load %arg3[%get3A_20, %get3A_21] : memref<1000x128xf32, #tpu.memory_space<vmem>>, vector<1000x128xf32>
    %get3A_23 = arith.constant 0 : index
    %get3A_24 = arith.constant 0 : index
    %get3A_25 = vector.load %arg5[%get3A_23, %get3A_24] : memref<128x128xf32, #tpu.memory_space<vmem>>, vector<128x128xf32>
    %dot_general3A_26 = arith.constant dense<0.000000e+00> : vector<1000x128xf32>
    %dot_general3A_27 = tpu.matmul %get3A_22, %get3A_25, %dot_general3A_26 {dimension_numbers = #tpu.dot_dimension_numbers<[1], [0], [0], [1], [0, 0, 1, 1], [], []>, transpose_lhs_hint = false} : vector<1000x128xf32>, vector<128x128xf32>, vector<1000x128xf32> -> vector<1000x128xf32>
    %add3A_28 = arith.addf %dot_general3A_19, %dot_general3A_27 : vector<1000x128xf32>
    %get3A_29 = arith.constant 0 : index
    %get3A_30 = arith.constant 0 : index
    %get3A_31 = vector.load %arg6[%get3A_29, %get3A_30] : memref<1x128xf32, #tpu.memory_space<vmem>>, vector<1x128xf32>
    %add3A_32 = vector.broadcast %get3A_31 : vector<1x128xf32> to vector<1000x128xf32>
    %add3A_33 = arith.addf %add3A_28, %add3A_32 : vector<1000x128xf32>
    %swap3A = arith.constant 0 : index
    %swap3A_34 = arith.constant 0 : index
    %swap3A_35 = vector.load %arg7[%swap3A, %swap3A_34] : memref<1000x128xf32, #tpu.memory_space<vmem>>, vector<1000x128xf32>
    tpu.vector_store %arg7[%swap3A, %swap3A_34], %add3A_33 {strides = array<i32>} : memref<1000x128xf32, #tpu.memory_space<vmem>>, vector<1000x128xf32>,
    %eq3A = arith.constant 0 : i32
    %eq3A_36 = arith.cmpi eq, %arg0, %eq3A : i32
    %convert_element_type3A = arith.extui %eq3A_36 : i1 to i32
    %cond3A = arith.constant 0 : i32
    %cond3A_37 = arith.cmpi ne, %convert_element_type3A, %cond3A : i32
    scf.if %cond3A_37 {
      %broadcast_in_dim3A_63 = arith.constant 0.000000e+00 : f32
      %broadcast_in_dim3A_64 = vector.broadcast %broadcast_in_dim3A_63 : f32 to vector<2x128xf32>
      %swap3A_65 = arith.constant 0 : index
      %swap3A_66 = arith.constant 0 : index
      %swap3A_67 = vector.load %arg9[%swap3A_65, %swap3A_66] : memref<2x128xf32, #tpu.memory_space<vmem>>, vector<2x128xf32>
      tpu.vector_store %arg9[%swap3A_65, %swap3A_66], %broadcast_in_dim3A_64 {strides = array<i32>} : memref<2x128xf32, #tpu.memory_space<vmem>>, vector<2x128xf32>,
    } else {
    }
    %get3A_38 = arith.constant 0 : index
    %get3A_39 = arith.constant 0 : index
    %get3A_40 = vector.load %arg9[%get3A_38, %get3A_39] : memref<2x128xf32, #tpu.memory_space<vmem>>, vector<1x128xf32>
    %reduce_sum3A_41 = arith.constant dense<0.000000e+00> : vector<128xf32>
    %reduce_sum3A_42 = vector.multi_reduction <add>, %add3A_33, %reduce_sum3A_41 [0] : vector<1000x128xf32> to vector<128xf32>
    %broadcast_in_dim3A_43 = vector.shape_cast %reduce_sum3A_42 : vector<128xf32> to vector<1x128xf32>
    %add3A_44 = arith.addf %get3A_40, %broadcast_in_dim3A_43 : vector<1x128xf32>
    %swap3A_45 = arith.constant 0 : index
    %swap3A_46 = arith.constant 0 : index
    %swap3A_47 = vector.load %arg9[%swap3A_45, %swap3A_46] : memref<2x128xf32, #tpu.memory_space<vmem>>, vector<1x128xf32>
    tpu.vector_store %arg9[%swap3A_45, %swap3A_46], %add3A_44 {strides = array<i32>} : memref<2x128xf32, #tpu.memory_space<vmem>>, vector<1x128xf32>,
    %get3A_48 = arith.constant 1 : index
    %get3A_49 = arith.constant 0 : index
    %get3A_50 = vector.load %arg9[%get3A_48, %get3A_49] : memref<2x128xf32, #tpu.memory_space<vmem>>, vector<1x128xf32>
    %mul3A = arith.mulf %add3A_33, %add3A_33 : vector<1000x128xf32>
    %reduce_sum3A_51 = arith.constant dense<0.000000e+00> : vector<128xf32>
    %reduce_sum3A_52 = vector.multi_reduction <add>, %mul3A, %reduce_sum3A_51 [0] : vector<1000x128xf32> to vector<128xf32>
    %broadcast_in_dim3A_53 = vector.shape_cast %reduce_sum3A_52 : vector<128xf32> to vector<1x128xf32>
    %add3A_54 = arith.addf %get3A_50, %broadcast_in_dim3A_53 : vector<1x128xf32>
    %swap3A_55 = arith.constant 1 : index
    %swap3A_56 = arith.constant 0 : index
    %swap3A_57 = vector.load %arg9[%swap3A_55, %swap3A_56] : memref<2x128xf32, #tpu.memory_space<vmem>>, vector<1x128xf32>
    tpu.vector_store %arg9[%swap3A_55, %swap3A_56], %add3A_54 {strides = array<i32>} : memref<2x128xf32, #tpu.memory_space<vmem>>, vector<1x128xf32>,
    %eq3A_58 = arith.constant 9 : i32
    %eq3A_59 = arith.cmpi eq, %arg0, %eq3A_58 : i32
    %convert_element_type3A_60 = arith.extui %eq3A_59 : i1 to i32
    %cond3A_61 = arith.constant 0 : i32
    %cond3A_62 = arith.cmpi ne, %convert_element_type3A_60, %cond3A_61 : i32
    scf.if %cond3A_62 {
      %get3A_63 = arith.constant 0 : index
      %get3A_64 = arith.constant 0 : index
      %get3A_65 = vector.load %arg9[%get3A_63, %get3A_64] : memref<2x128xf32, #tpu.memory_space<vmem>>, vector<2x128xf32>
      %swap3A_66 = arith.constant 0 : index
      %swap3A_67 = arith.constant 0 : index
      %swap3A_68 = vector.load %arg8[%swap3A_66, %swap3A_67] : memref<2x128xf32, #tpu.memory_space<vmem>>, vector<2x128xf32>
      tpu.vector_store %arg8[%swap3A_66, %swap3A_67], %get3A_65 {strides = array<i32>} : memref<2x128xf32, #tpu.memory_space<vmem>>, vector<2x128xf32>,
    } else {
    }
    return
  }
  func.func @transform_0(%arg0: i32) -> (i32, i32, i32) {
    %c0_i32 = arith.constant 0 : i32
    %c0_i32_0 = arith.constant 0 : i32
    %c0_i32_1 = arith.constant 0 : i32
    return %c0_i32, %arg0, %c0_i32_0 : i32, i32, i32
  }
  func.func @transform_1(%arg0: i32) -> (i32, i32) {
    %c0_i32 = arith.constant 0 : i32
    %c0_i32_0 = arith.constant 0 : i32
    return %arg0, %c0_i32 : i32, i32
  }
  func.func @transform_2(%arg0: i32) -> (i32, i32) {
    %c0_i32 = arith.constant 0 : i32
    %c0_i32_0 = arith.constant 0 : i32
    return %arg0, %c0_i32 : i32, i32
  }
  func.func @transform_3(%arg0: i32) -> (i32, i32) {
    %c0_i32 = arith.constant 0 : i32
    %c0_i32_0 = arith.constant 0 : i32
    %c0_i32_1 = arith.constant 0 : i32
    return %c0_i32, %c0_i32_0 : i32, i32
  }
  func.func @transform_4(%arg0: i32) -> (i32, i32) {
    %c0_i32 = arith.constant 0 : i32
    %c0_i32_0 = arith.constant 0 : i32
    %c0_i32_1 = arith.constant 0 : i32
    return %c0_i32, %c0_i32_0 : i32, i32
  }
  func.func @transform_5(%arg0: i32) -> (i32, i32) {
    %c0_i32 = arith.constant 0 : i32
    %c0_i32_0 = arith.constant 0 : i32
    %c0_i32_1 = arith.constant 0 : i32
    return %c0_i32, %c0_i32_0 : i32, i32
  }
  func.func @transform_6(%arg0: i32) -> (i32, i32) {
    %c0_i32 = arith.constant 0 : i32
    %c0_i32_0 = arith.constant 0 : i32
    return %arg0, %c0_i32 : i32, i32
  }
  func.func @transform_7(%arg0: i32) -> (i32, i32) {
    %c0_i32 = arith.constant 0 : i32
    %c0_i32_0 = arith.constant 0 : i32
    %c0_i32_1 = arith.constant 0 : i32
    return %c0_i32, %c0_i32_0 : i32, i32
  }
}

module attributes {stable_mosaic.version = 14 : i64} {
  func.func @body(%arg0: i32, %arg1: memref<1000x128xf32, #tpu.memory_space<vmem>>, %arg2: memref<2x128xf32, #tpu.memory_space<vmem>>, %arg3: memref<1000x128xf32, #tpu.memory_space<vmem>>, %arg4: memref<1x128xf32, #tpu.memory_space<vmem>>, %arg5: memref<1x128xf32, #tpu.memory_space<vmem>>, %arg6: memref<1x128xf32, #tpu.memory_space<vmem>>, %arg7: memref<1000x128xf32, #tpu.memory_space<vmem>>) attributes {dimension_semantics = [#tpu.dimension_semantics<arbitrary>], iteration_bounds = array<i64: 10>, scalar_prefetch = 0 : i64, scratch_operands = 0 : i64, tpu.core_type = #tpu.core_type<tc>, window_params = [{transform_indices = @transform_0, window_bounds = array<i64: 1000, 128>}, {pipeline_mode = #tpu.pipeline_mode<synchronous>, transform_indices = @transform_1, window_bounds = array<i64: 2, 128>}, {transform_indices = @transform_2, window_bounds = array<i64: 1000, 128>}, {pipeline_mode = #tpu.pipeline_mode<synchronous>, transform_indices = @transform_3, window_bounds = array<i64: 1, 128>}, {pipeline_mode = #tpu.pipeline_mode<synchronous>, transform_indices = @transform_4, window_bounds = array<i64: 1, 128>}, {pipeline_mode = #tpu.pipeline_mode<synchronous>, transform_indices = @transform_5, window_bounds = array<i64: 1, 128>}, {transform_indices = @transform_6, window_bounds = array<i64: 1000, 128>}]} {
    %get3A = arith.constant 0 : index
    %get3A_0 = arith.constant 0 : index
    %get3A_1 = vector.load %arg2[%get3A, %get3A_0] : memref<2x128xf32, #tpu.memory_space<vmem>>, vector<1x128xf32>
    %mul3A = arith.constant 9.99999974E-5 : f32
    %mul3A_2 = vector.broadcast %mul3A : f32 to vector<1x128xf32>
    %mul3A_3 = arith.mulf %get3A_1, %mul3A_2 : vector<1x128xf32>
    %get3A_4 = arith.constant 1 : index
    %get3A_5 = arith.constant 0 : index
    %get3A_6 = vector.load %arg2[%get3A_4, %get3A_5] : memref<2x128xf32, #tpu.memory_space<vmem>>, vector<1x128xf32>
    %mul3A_7 = arith.constant 9.99999974E-5 : f32
    %mul3A_8 = vector.broadcast %mul3A_7 : f32 to vector<1x128xf32>
    %mul3A_9 = arith.mulf %get3A_6, %mul3A_8 : vector<1x128xf32>
    %mul3A_10 = arith.mulf %mul3A_3, %mul3A_3 : vector<1x128xf32>
    %sub3A = arith.subf %mul3A_9, %mul3A_10 : vector<1x128xf32>
    %add3A = arith.constant 9.99999974E-6 : f32
    %add3A_11 = vector.broadcast %add3A : f32 to vector<1x128xf32>
    %add3A_12 = arith.addf %sub3A, %add3A_11 : vector<1x128xf32>
    %rsqrt3A = math.rsqrt %add3A_12 : vector<1x128xf32>
    %get3A_13 = arith.constant 0 : index
    %get3A_14 = arith.constant 0 : index
    %get3A_15 = vector.load %arg1[%get3A_13, %get3A_14] : memref<1000x128xf32, #tpu.memory_space<vmem>>, vector<1000x128xf32>
    %sub3A_16 = vector.broadcast %mul3A_3 : vector<1x128xf32> to vector<1000x128xf32>
    %sub3A_17 = arith.subf %get3A_15, %sub3A_16 : vector<1000x128xf32>
    %get3A_18 = arith.constant 0 : index
    %get3A_19 = arith.constant 0 : index
    %get3A_20 = vector.load %arg4[%get3A_18, %get3A_19] : memref<1x128xf32, #tpu.memory_space<vmem>>, vector<1x128xf32>
    %mul3A_21 = arith.mulf %rsqrt3A, %get3A_20 : vector<1x128xf32>
    %mul3A_22 = vector.broadcast %mul3A_21 : vector<1x128xf32> to vector<1000x128xf32>
    %mul3A_23 = arith.mulf %sub3A_17, %mul3A_22 : vector<1000x128xf32>
    %get3A_24 = arith.constant 0 : index
    %get3A_25 = arith.constant 0 : index
    %get3A_26 = vector.load %arg5[%get3A_24, %get3A_25] : memref<1x128xf32, #tpu.memory_space<vmem>>, vector<1x128xf32>
    %add3A_27 = vector.broadcast %get3A_26 : vector<1x128xf32> to vector<1000x128xf32>
    %add3A_28 = arith.addf %mul3A_23, %add3A_27 : vector<1000x128xf32>
    %max3A = arith.constant 0.000000e+00 : f32
    %max3A_29 = vector.broadcast %max3A : f32 to vector<1000x128xf32>
    %max3A_30 = arith.maximumf %add3A_28, %max3A_29 : vector<1000x128xf32>
    %get3A_31 = arith.constant 0 : index
    %get3A_32 = arith.constant 0 : index
    %get3A_33 = vector.load %arg6[%get3A_31, %get3A_32] : memref<1x128xf32, #tpu.memory_space<vmem>>, vector<1x128xf32>
    %get3A_34 = arith.constant 0 : index
    %get3A_35 = arith.constant 0 : index
    %get3A_36 = vector.load %arg3[%get3A_34, %get3A_35] : memref<1000x128xf32, #tpu.memory_space<vmem>>, vector<1000x128xf32>
    %mul3A_37 = vector.broadcast %get3A_33 : vector<1x128xf32> to vector<1000x128xf32>
    %mul3A_38 = arith.mulf %mul3A_37, %get3A_36 : vector<1000x128xf32>
    %add3A_39 = arith.addf %max3A_30, %mul3A_38 : vector<1000x128xf32>
    %swap3A = arith.constant 0 : index
    %swap3A_40 = arith.constant 0 : index
    %swap3A_41 = vector.load %arg7[%swap3A, %swap3A_40] : memref<1000x128xf32, #tpu.memory_space<vmem>>, vector<1000x128xf32>
    tpu.vector_store %arg7[%swap3A, %swap3A_40], %add3A_39 {strides = array<i32>} : memref<1000x128xf32, #tpu.memory_space<vmem>>, vector<1000x128xf32>,
    return
  }
  func.func @transform_0(%arg0: i32) -> (i32, i32) {
    %c0_i32 = arith.constant 0 : i32
    %c0_i32_0 = arith.constant 0 : i32
    return %arg0, %c0_i32 : i32, i32
  }
  func.func @transform_1(%arg0: i32) -> (i32, i32) {
    %c0_i32 = arith.constant 0 : i32
    %c0_i32_0 = arith.constant 0 : i32
    %c0_i32_1 = arith.constant 0 : i32
    return %c0_i32, %c0_i32_0 : i32, i32
  }
  func.func @transform_2(%arg0: i32) -> (i32, i32) {
    %c0_i32 = arith.constant 0 : i32
    %c0_i32_0 = arith.constant 0 : i32
    return %arg0, %c0_i32 : i32, i32
  }
  func.func @transform_3(%arg0: i32) -> (i32, i32) {
    %c0_i32 = arith.constant 0 : i32
    %c0_i32_0 = arith.constant 0 : i32
    %c0_i32_1 = arith.constant 0 : i32
    return %c0_i32, %c0_i32_0 : i32, i32
  }
  func.func @transform_4(%arg0: i32) -> (i32, i32) {
    %c0_i32 = arith.constant 0 : i32
    %c0_i32_0 = arith.constant 0 : i32
    %c0_i32_1 = arith.constant 0 : i32
    return %c0_i32, %c0_i32_0 : i32, i32
  }
  func.func @transform_5(%arg0: i32) -> (i32, i32) {
    %c0_i32 = arith.constant 0 : i32
    %c0_i32_0 = arith.constant 0 : i32
    %c0_i32_1 = arith.constant 0 : i32
    return %c0_i32, %c0_i32_0 : i32, i32
  }
  func.func @transform_6(%arg0: i32) -> (i32, i32) {
    %c0_i32 = arith.constant 0 : i32
    %c0_i32_0 = arith.constant 0 : i32
    return %arg0, %c0_i32 : i32, i32
  }
}

module attributes {stable_mosaic.version = 14 : i64} {
  func.func @body(%arg0: i32, %arg1: memref<1000x128xf32, #tpu.memory_space<vmem>>, %arg2: memref<128x128xf32, #tpu.memory_space<vmem>>, %arg3: memref<1x128xf32, #tpu.memory_space<vmem>>, %arg4: memref<128x8xf32, #tpu.memory_space<vmem>>, %arg5: memref<1x8xf32, #tpu.memory_space<vmem>>, %arg6: memref<1000x8xf32, #tpu.memory_space<vmem>>) attributes {dimension_semantics = [#tpu.dimension_semantics<arbitrary>], iteration_bounds = array<i64: 10>, scalar_prefetch = 0 : i64, scratch_operands = 0 : i64, tpu.core_type = #tpu.core_type<tc>, window_params = [{transform_indices = @transform_0, window_bounds = array<i64: 1000, 128>}, {pipeline_mode = #tpu.pipeline_mode<synchronous>, transform_indices = @transform_1, window_bounds = array<i64: 128, 128>}, {pipeline_mode = #tpu.pipeline_mode<synchronous>, transform_indices = @transform_2, window_bounds = array<i64: 1, 128>}, {pipeline_mode = #tpu.pipeline_mode<synchronous>, transform_indices = @transform_3, window_bounds = array<i64: 128, 8>}, {pipeline_mode = #tpu.pipeline_mode<synchronous>, transform_indices = @transform_4, window_bounds = array<i64: 1, 8>}, {transform_indices = @transform_5, window_bounds = array<i64: 1000, 8>}]} {
    %get3A = arith.constant 0 : index
    %get3A_0 = arith.constant 0 : index
    %get3A_1 = vector.load %arg1[%get3A, %get3A_0] : memref<1000x128xf32, #tpu.memory_space<vmem>>, vector<1000x128xf32>
    %get3A_2 = arith.constant 0 : index
    %get3A_3 = arith.constant 0 : index
    %get3A_4 = vector.load %arg2[%get3A_2, %get3A_3] : memref<128x128xf32, #tpu.memory_space<vmem>>, vector<128x128xf32>
    %dot_general3A = arith.constant dense<0.000000e+00> : vector<1000x128xf32>
    %dot_general3A_5 = tpu.matmul %get3A_1, %get3A_4, %dot_general3A {dimension_numbers = #tpu.dot_dimension_numbers<[1], [0], [0], [1], [0, 0, 1, 1], [], []>, transpose_lhs_hint = false} : vector<1000x128xf32>, vector<128x128xf32>, vector<1000x128xf32> -> vector<1000x128xf32>
    %get3A_6 = arith.constant 0 : index
    %get3A_7 = arith.constant 0 : index
    %get3A_8 = vector.load %arg3[%get3A_6, %get3A_7] : memref<1x128xf32, #tpu.memory_space<vmem>>, vector<1x128xf32>
    %add3A = vector.broadcast %get3A_8 : vector<1x128xf32> to vector<1000x128xf32>
    %add3A_9 = arith.addf %dot_general3A_5, %add3A : vector<1000x128xf32>
    %max3A = arith.constant 0.000000e+00 : f32
    %max3A_10 = vector.broadcast %max3A : f32 to vector<1000x128xf32>
    %max3A_11 = arith.maximumf %add3A_9, %max3A_10 : vector<1000x128xf32>
    %get3A_12 = arith.constant 0 : index
    %get3A_13 = arith.constant 0 : index
    %get3A_14 = vector.load %arg4[%get3A_12, %get3A_13] : memref<128x8xf32, #tpu.memory_space<vmem>>, vector<128x8xf32>
    %dot_general3A_15 = arith.constant dense<0.000000e+00> : vector<1000x8xf32>
    %dot_general3A_16 = tpu.matmul %max3A_11, %get3A_14, %dot_general3A_15 {dimension_numbers = #tpu.dot_dimension_numbers<[1], [0], [0], [1], [0, 0, 1, 1], [], []>, transpose_lhs_hint = false} : vector<1000x128xf32>, vector<128x8xf32>, vector<1000x8xf32> -> vector<1000x8xf32>
    %get3A_17 = arith.constant 0 : index
    %get3A_18 = arith.constant 0 : index
    %get3A_19 = vector.load %arg5[%get3A_17, %get3A_18] : memref<1x8xf32, #tpu.memory_space<vmem>>, vector<1x8xf32>
    %add3A_20 = vector.broadcast %get3A_19 : vector<1x8xf32> to vector<1000x8xf32>
    %add3A_21 = arith.addf %dot_general3A_16, %add3A_20 : vector<1000x8xf32>
    %swap3A = arith.constant 0 : index
    %swap3A_22 = arith.constant 0 : index
    %swap3A_23 = vector.load %arg6[%swap3A, %swap3A_22] : memref<1000x8xf32, #tpu.memory_space<vmem>>, vector<1000x8xf32>
    tpu.vector_store %arg6[%swap3A, %swap3A_22], %add3A_21 {strides = array<i32>} : memref<1000x8xf32, #tpu.memory_space<vmem>>, vector<1000x8xf32>,
    return
  }
  func.func @transform_0(%arg0: i32) -> (i32, i32) {
    %c0_i32 = arith.constant 0 : i32
    %c0_i32_0 = arith.constant 0 : i32
    return %arg0, %c0_i32 : i32, i32
  }
  func.func @transform_1(%arg0: i32) -> (i32, i32) {
    %c0_i32 = arith.constant 0 : i32
    %c0_i32_0 = arith.constant 0 : i32
    %c0_i32_1 = arith.constant 0 : i32
    return %c0_i32, %c0_i32_0 : i32, i32
  }
  func.func @transform_2(%arg0: i32) -> (i32, i32) {
    %c0_i32 = arith.constant 0 : i32
    %c0_i32_0 = arith.constant 0 : i32
    %c0_i32_1 = arith.constant 0 : i32
    return %c0_i32, %c0_i32_0 : i32, i32
  }
  func.func @transform_3(%arg0: i32) -> (i32, i32) {
    %c0_i32 = arith.constant 0 : i32
    %c0_i32_0 = arith.constant 0 : i32
    %c0_i32_1 = arith.constant 0 : i32
    return %c0_i32, %c0_i32_0 : i32, i32
  }
  func.func @transform_4(%arg0: i32) -> (i32, i32) {
    %c0_i32 = arith.constant 0 : i32
    %c0_i32_0 = arith.constant 0 : i32
    %c0_i32_1 = arith.constant 0 : i32
    return %c0_i32, %c0_i32_0 : i32, i32
  }
  func.func @transform_5(%arg0: i32) -> (i32, i32) {
    %c0_i32 = arith.constant 0 : i32
    %c0_i32_0 = arith.constant 0 : i32
    return %arg0, %c0_i32 : i32, i32
  }
}

</mosaic_0001>

<sc_bundles>
// kernel: body.17.cloned.1.call-start
scs
__scs_entry_jumppad:
0x0: {  	(pc) =	sbr.rel $0x88, $3  }
0x1: {  	(tag) =	ssettag $0x0;
	lr =	simm.s32 $0x1  }
0x2: {  	[smem:$0x3F8C] =	sst lr;
	_ =	strace $0xD0000000  }
0x3: {  	_ = 	snop  }
0x4: {  	_ = 	snop  }
0x5: {  	_ = 	snop  }
0x6: {  	_ = 	snop  }
0x7: {  	_ = 	snop  }
__scs_overlays_trampoline_lowered:
0x8: {  	[smem:$0x3F9B] =	sst s0  }
0x9: {  	[smem:$0x3F9C] =	sst s1  }
0xa: {  	[smem:$0x3F9D] =	sst s2  }
0xb: {  	[smem:$0x3F9E] =	sst s3  }
0xc: {  	[smem:$0x3F9F] =	sst s4  }
0xd: {  	[smem:$0x3FA0] =	sst s5  }
0xe: {  	[smem:$0x3FA1] =	sst s6  }
0xf: {  	[smem:$0x3FA2] =	sst s7  }
0x10: {  	[smem:$0x3FA3] =	sst s8  }
0x11: {  	[smem:$0x3FA4] =	sst s9;
	s0 =	simm.s32 @!p0 $0x0  }
0x12: {  	s1 =	sld [smem:$0x3F8A];
	s0 =	simm.s32 @p0 $0x1  }
0x13: {  	[smem:$0x3FA5] =	sst s0;
	s0 =	simm.s32 @!p1 $0x0  }
0x14: {  	s2 =	sld [smem:$0x3F89];
	s0 =	simm.s32 @p1 $0x1  }
0x15: {  	[smem:$0x3FA6] =	sst s0;
	s0 =	simm.s32 @!p2 $0x0  }
0x16: {  	s3 =	sld [smem:$0x3FDB];
	s0 =	simm.s32 @p2 $0x1  }
0x17: {  	s4 =	simm.s32 $0x1BF5;
	[smem:$0x3FA8] =	sst s0  }
0x18: {  	s0 =	sld [smem:$0x3F8B];
	_ =	swait.ge [sflag:s4], $0x0  }
0x19: {  	s7 =	sld [smem:$0x3F8C]  }
0x1a: {  	s8 =	sadd.s32 $0xFFFFE003, lr  }
0x1b: {  	s9 =	sadd.s32 $0xFFFFFEF7, lr;
	s5 =	simm.s32 $0xFFFFFFFF;
	p2 =	slt.u32 s8, $0xFFFFF086  }
0x1c: {  	p1 =	slt.u32 s9, $0xF7A;
	s5 =	simm.s32 @!p2 $0x0  }
0x1d: {  	s5 =	simm.s32 @p1 $0x1;
	p0 =	seq.s32 s7, s2  }
0x1e: {  	s7 =	smul.u32 @!p0 $0xF7A, s2;
	p2 =	seq.s32 @!p0 s5, $0x0  }
0x1f: {  	s9 =	smul.u32 $0xF7A, s1;
	s8 =	simm.s32 @!p0 $0x1BF5;
	p2 =	por !p2, p0  }
0x20: {  	[sflag:s8] =	ssyncset.s32 @!p0 $0xFFFFF086;
	s6 =	sadd.s32 @!p0 s3, s7;
	s7 =	simm.s32 @!p0 $0x108  }
0x21: {  	s3 =	sadd.s32 s3, s9;
	s6 =	sadd.s32 @!p0 $0x88, s6;
	s7 =	simm.s32 @p2 $0x1082  }
0x22: {  	[simem:s7], [sflag:s8] =	dma.local @!p0 [hbm:s6], $0xF7A  }
0x23: {  	s9 =	sor.u32 $0xD0000000, s2;
	s6 =	simm.s32 $0x108;
	_ =	swait.ge @!p0 [sflag:s8], $0x0  }
0x24: {  	s3 =	sadd.s32 $0x88, s3;
	s6 =	simm.s32 @!p1 $0x1082;
	[sflag:s4] =	ssyncset.s32 $0xFFFFF086  }
0x25: {  	[simem:s6], [sflag:s4] =	dma.local [hbm:s3], $0xF7A  }
0x26: {  	[smem:$0x3F8C] =	sst s1;
	(tag) =	ssettag s2;
	_ =	strace s9  }
0x27: {  	s1 =	sld [smem:$0x3F9C]  }
0x28: {  	s2 =	sld [smem:$0x3F9D]  }
0x29: {  	s4 =	sld [smem:$0x3F9F]  }
0x2a: {  	p0 =	seq.s32 s5, $0x0;
	s5 =	sld [smem:$0x3FA0]  }
0x2b: {  	s6 =	sld [smem:$0x3FA1]  }
0x2c: {  	s7 =	sld [smem:$0x3FA2]  }
0x2d: {  	s3 =	simm.s32 $0x108;
	s8 =	sld [smem:$0x3FA3]  }
0x2e: {  	s3 =	simm.s32 @!p0 $0x1082;
	s9 =	sld [smem:$0x3FA4]  }
0x2f: {  	lr =	sadd.s32 s0, s3;
	s0 =	sld [smem:$0x3F9B]  }
0x30: {  	s3 =	sld [smem:$0x3F9E]  }
0x31: {  	[smem:$0x3FA7] =	sst s10  }
0x32: {  	s10 =	sld [smem:$0x3FA5];
	_ =	sdelay $0x3  }
0x33: {  	p0 =	seq.s32 s10, $0x1;
	s10 =	sld [smem:$0x3FA7];
	_ =	sdelay $0x3  }
0x34: {  	[smem:$0x3FA7] =	sst s10  }
0x35: {  	s10 =	sld [smem:$0x3FA6];
	_ =	sdelay $0x3  }
0x36: {  	p1 =	seq.s32 s10, $0x1;
	s10 =	sld [smem:$0x3FA7];
	_ =	sdelay $0x3  }
0x37: {  	[smem:$0x3FA7] =	sst s10  }
0x38: {  	s10 =	sld [smem:$0x3FA8]  }
0x39: {  	_ = 	snop;
	(pc) =	sbr.ind lr, $3  }
0x3a: {  	_ = 	snop  }
0x3b: {  	_ = 	snop  }
0x3c: {  	p2 =	seq.s32 s10, $0x1;
	s10 =	sld [smem:$0x3FA7]  }
0x3d: {  	_ =	shalt  }
0x3e: {  	_ =	shalt  }
0x3f: {  	_ =	shalt  }
0x40: {  	_ =	shalt  }
0x41: {  	_ =	shalt  }
0x42: {  	_ =	shalt  }
0x43: {  	_ =	shalt  }
0x44: {  	_ =	shalt  }
0x45: {  	_ =	shalt  }
0x46: {  	_ =	shalt  }
0x47: {  	_ =	shalt  }
0x48: {  	_ =	shalt  }
0x49: {  	_ =	shalt  }
0x4a: {  	_ =	shalt  }
0x4b: {  	_ =	shalt  }
0x4c: {  	_ =	shalt  }
0x4d: {  	_ =	shalt  }
0x4e: {  	_ =	shalt  }
0x4f: {  	_ =	shalt  }
0x50: {  	_ =	shalt  }
0x51: {  	_ =	shalt  }
0x52: {  	_ =	shalt  }
0x53: {  	_ =	shalt  }
0x54: {  	_ =	shalt  }
0x55: {  	_ =	shalt  }
0x56: {  	_ =	shalt  }
0x57: {  	_ =	shalt  }
0x58: {  	_ =	shalt  }
0x59: {  	_ =	shalt  }
0x5a: {  	_ =	shalt  }
0x5b: {  	_ =	shalt  }
0x5c: {  	_ =	shalt  }
0x5d: {  	_ =	shalt  }
0x5e: {  	_ =	shalt  }
0x5f: {  	_ =	shalt  }
0x60: {  	_ =	shalt  }
0x61: {  	_ =	shalt  }
0x62: {  	_ =	shalt  }
0x63: {  	_ =	shalt  }
0x64: {  	_ =	shalt  }
0x65: {  	_ =	shalt  }
0x66: {  	_ =	shalt  }
0x67: {  	_ =	shalt  }
0x68: {  	_ =	shalt  }
0x69: {  	_ =	shalt  }
0x6a: {  	_ =	shalt  }
0x6b: {  	_ =	shalt  }
0x6c: {  	_ =	shalt  }
0x6d: {  	_ =	shalt  }
0x6e: {  	_ =	shalt  }
0x6f: {  	_ =	shalt  }
0x70: {  	_ =	shalt  }
0x71: {  	_ =	shalt  }
0x72: {  	_ =	shalt  }
0x73: {  	_ =	shalt  }
0x74: {  	_ =	shalt  }
0x75: {  	_ =	shalt  }
0x76: {  	_ =	shalt  }
0x77: {  	_ =	shalt  }
0x78: {  	_ =	shalt  }
0x79: {  	_ =	shalt  }
0x7a: {  	_ =	shalt  }
0x7b: {  	_ =	shalt  }
0x7c: {  	_ =	shalt  }
0x7d: {  	_ =	shalt  }
0x7e: {  	_ =	shalt  }
0x7f: {  	_ =	shalt  }
0x80: {  	_ =	shalt  }
0x81: {  	_ =	shalt  }
0x82: {  	_ =	shalt  }
0x83: {  	_ =	shalt  }
0x84: {  	_ =	shalt  }
0x85: {  	_ =	shalt  }
0x86: {  	_ =	shalt  }
0x87: {  	_ =	shalt  }
.Lfunc_end0:
.L_simem_size_0:
called_computation_lowered:
.L_overlay_start_0:
0x88: {  	s2 =	sld [smem:$0x3FD9]  }
0x89: {  	s3 =	sld [smem:$0x3FFE];
	_ =	sdelay $0x1  }
0x8a: {  	s1 =	srdreg.scid  }
0x8b: {  	s0 =	sand.u32 $0x1, s1  }
0x8c: {  	s16 =	sshll.u32 s0, $0xA;
	s2 =	sadd.s32 s3, s2  }
0x8d: {  	s2 =	sadd.s32 s2, s16  }
0x8e: {  	[smem:$0x3FB3] =	sst s2  }
0x8f: {  	_ = 	snop  }
0x90: {  	(tm) =	ssettm $0x1  }
0x91: {  	s17 =	sld [smem:$0x3FFB];
	_ =	sdelay $0x3  }
0x92: {  	_ =	strace s17  }
0x93: {  	s2 =	sld [smem:$0x3FFC];
	_ =	sdelay $0x3  }
0x94: {  	_ =	strace s2  }
0x95: {  	s2 =	sld [smem:$0x3FFD];
	_ =	sdelay $0x3  }
0x96: {  	_ =	strace s2  }
0x97: {  	_ =	strace $0x8FFFFFFF  }
0x98: {  	s18 =	sld [smem:$0x3FDB];
	_ =	sdelay $0x1  }
0x99: {  	s19 =	simm.s32 $_scs_section_size  }
0x9a: {  	s4 =	simm.s32 $_size__tile_overlayer_lowered;
	s5 =	simm.s32 $_tile_overlayer_lowered  }
0x9b: {  	s22 =	simm.s32 $0x1BFF;
	s21 =	sshll.u32 s5, $0x1;
	s2 =	sadd.s32 s19, s18  }
0x9c: {  	s6 =	simm.s32 $0x0;
	s20 =	sshll.u32 s4, $0x1;
	s4 =	sadd.s32 s21, s2  }
0x9d: {  	[timem:s6], [sflag:s22] =	dma.local [hbm:s4], s20  }
0x9e: {  	_ =	swait.ge [sflag:s22], s20  }
0x9f: {  	s3 =	ssub.s32 $0x0, s20;
	[sflag:s22] =	ssyncset.done $0x0  }
0xa0: {  	[sflag:s22] =	ssyncadd.s32 s3;
	_ =	sdelay $0x1  }
0xa1: {  	s23 =	simm.s32 $0x1B8B  }
0xa2: {  	_ =	swait.ge [sflag:s23], $0x1  }
0xa3: {  	[sflag:s23] =	ssyncset.done $0x0  }
0xa4: {  	s25 =	simm.s32 $0x1B8E;
	s24 =	sld [smem:$0x3FFE];
	[sflag:s23] =	ssyncadd.s32 $0xFFFFFFFF  }
0xa5: {  	s26 =	simm.s32 $execute0_lowered;
	[smem:$0x3FD2] =	sst s25  }
0xa6: {  	s4 =	sshll.u32 s26, $0x1;
	_ =	strace $0x80000046;
	[dreg:$0x1] =	wrdreg $0xFFFFFFFF  }
0xa7: {  	s28 =	simm.s32 $_size_execute0_lowered;
	s2 =	sadd.s32 s2, s4;
	[dreg:$0x0] =	wrdreg $0x0  }
0xa8: {  	s4 =	sshll.u32 s28, $0x1;
	[dreg:$0x2] =	wrdreg s2  }
0xa9: {  	[dreg:$0x3] =	wrdreg s4  }
0xaa: {  	[dreg:$0x4] =	wrdreg $0xC0  }
0xab: {  	_ =	task [dreg:s6], $0x5FFFF  }
0xac: {  	[dreg:$0x1] =	wrdreg $0xFFFFFFFF  }
0xad: {  	[dreg:$0x0] =	wrdreg $0x60  }
0xae: {  	[dreg:$0x2] =	wrdreg s24  }
0xaf: {  	[dreg:$0x3] =	wrdreg $0x78000  }
0xb0: {  	[dreg:$0x4] =	wrdreg $0x9  }
0xb1: {  	_ =	task.clear_ibuf [dreg:s6], $0x5FFFF;
	_ =	strace $0x90000046  }
0xb2: {  	s29 =	simm.s32 $0x9;
	_ =	strace $0x80000048  }
0xb3: {  	_ =	swait.ge [sflag:s29], $0x1  }
0xb4: {  	[sflag:s29] =	ssyncadd.s32 $0xFFFFFFFF  }
0xb5: {  	_ =	strace $0x90000048  }
0xb6: {  	_ =	sfence  }
0xb7: {  	s30 =	sld [smem:$0x0];
	_ =	sdelay $0x2  }
0xb8: {  	s31 =	sshll.u32 s1, $0xD;
	s1 =	sshrl.u32 s1, $0x2  }
0xb9: {  	s3 =	sand.u32 $0x4000, s31;
	s1 =	sadd.s32 s1, s30  }
0xba: {  	s0 =	sor.u32 s3, s0;
	s1 =	sshll.u32 s1, $0x11  }
0xbb: {  	s0 =	sor.u32 s1, s0  }
0xbc: {  	s0 =	sadd.s32 $0x8F2B, s0  }
0xbd: {  	[sflag:s0] =	ssyncadd.remote.s32 $0x1  }
0xbe: {  	_ =	sfence.sel $0xFFFF  }
0xbf: {  	[dreg:$0x0] =	wrdreg $0xFFFFFFFF;
	(pc) =	sbr.abs _section_cstart, $3  }
0xc0: {  	[dreg:$0x1] =	wrdreg $0xFFFFFFFF  }
0xc1: {  	_ =	task.clear_ibuf [dreg:s6], $0x2FFFF;
	_ =	strace $0x9FFFFFFF  }
0xc2: {  	(tm) =	ssettm $0x7FFFFFFF  }
0xc3: {  	_ =	shalt  }
tec
execute0_lowered:
.L_overlay_start_1:
0x0: {  	(tag) =	ssettag $0x1  }
0x1: {  	s7 =	rddreg [dreg:$0x0]  }
0x2: {  	s0 =	srdreg.scid;
	s2 =	rddreg [dreg:$0x1]  }
0x3: {  	s1 =	stileid.u32;
	s3 =	simm.s32 $0x0;
	s17 =	simm.s32 $0x2  }
0x4: {  	s18 =	simm.s32 $0x800;
	s19 =	simm.s32 $0x80;
	s20 =	simm.s32 $0x5000  }
0x5: {  	s21 =	simm.s32 $0x1;
	s22 =	simm.s32 $0x400;
	s10 =	smul.u32 $0x14000, s1  }
0x6: {  	s8 =	sand.u32 $0x1, s0;
	s0 =	rddreg [dreg:$0x2];
	s26 =	smul.u32 $0x50000, s1  }
0x7: {  	[smem:$0x7FF] =	sst s3;
	s5 =	sshrl.u32 s1, $0x3;
	s16 =	smul.u32 $0x2800, s1  }
0x8: {  	s4 =	sadd.s32 $0x18200, s7;
	s6 =	sadd.s32 $0xE200, s7;
	s9 =	smul.u32 $0x140000, s8  }
0x9: {  	s13 =	sshll.u32 s1, $0x7;
	s12 =	smul.u32 $0x28000, s8;
	_ =	strace $0x80000047  }
0xa: {  	s11 =	smul.u32 $0x14000, s5;
	s5 =	sadd.s32 $0x4200, s7;
	s8 =	ssub.s32 $0x2, s8  }
0xb: {  	s25 =	sand.u32 $0x380, s13;
	s30 =	sshrl.u32 s8, $0x1;
	s31 =	sshrl.u32 s26, $0x2  }
0xc: {  	s9 =	sadd.s32 s10, s9;
	s24 =	sadd.s32 s12, s11;
	s15 =	ssub.s32 s8, s30  }
0xd: {  	s12 =	sadd.s32 s16, s12;
	s16 =	simm.s32 $0x1000;
	s10 =	sor.u32 s25, s24  }
0xe: {  	s9 =	sshrl.u32 s9, $0x3;
	s15 =	smax.u32 s15, $0x1;
	s29 =	sshrl.u32 s10, $0x3  }
0xf: {  	s28 =	sadd.s32 s9, s7;
	s14 =	sadd.s32 s29, s7;
	s7 =	sadd.s32 s31, s2  }
0x10: {  	s13 =	sadd.s32 $0x49400, s28;
	s8 =	sadd.s32 $0x4000, s7;
	s9 =	sadd.s32 $0x8000, s7  }
0x11: {  	v0 =	vimm.f32 $0.0e+00;
	v1 =	vimm.f32 $1.000000000e+00;
	s10 =	sadd.s32 $0xC000, s7;
	s11 =	sadd.s32 $0x10000, s7;
	s14 =	sadd.s32 $0x3F400, s14  }
.LBB2_1:
0x12: {  	s23 =	simm.s32 $0x0;
	s24 =	simm.s32 $0x200  }
.LBB2_2:
0x13: {  	p0 =	sne.s32 s24, $0xFE00;
	[tilespmem:s23+$0x1070] =	vst v0  }
0x14: {  	[tilespmem:s23+$0x1000] =	vst v0  }
0x15: {  	[tilespmem:s23+$0x1010] =	vst v0  }
.Ltmp0:
0x16: {  	[tilespmem:s23+$0x1020] =	vst v0;
	(pc) =	sbr.rel @p0 .LBB2_2-.Ltmp0, $4  }
0x17: {  	[tilespmem:s23+$0x1030] =	vst v0  }
0x18: {  	[tilespmem:s23+$0x1040] =	vst v0  }
0x19: {  	[tilespmem:s23+$0x1050] =	vst v0  }
0x1a: {  	[tilespmem:s23+$0x1060] =	vst v0;
	s23 =	sshra.s32 s24, $0x2;
	s24 =	sadd.s32 $0x200, s24  }
0x1b: {  	[tilespmem:s23+$0x1070] =	vst v0  }
0x1c: {  	[tilespmem:s23+$0x1000] =	vst v0  }
0x1d: {  	[tilespmem:s23+$0x1010] =	vst v0  }
0x1e: {  	[tilespmem:s23+$0x1020] =	vst v0  }
0x1f: {  	[tilespmem:s23+$0x1030] =	vst v0  }
0x20: {  	[tilespmem:s23+$0x1040] =	vst v0  }
0x21: {  	[tilespmem:s23+$0x1050] =	vst v0  }
0x22: {  	[tilespmem:s23+$0x1060] =	vst v0  }
0x23: {  	[spmem:s7] =	stream.linear.scatter [tilespmem:s16], [sflag:$0x2], $0x4000, $0x38;
	[tilespmem:$0x1B800] =	vst v63  }
0x24: {  	_ =	swait.ge [sflag:s17], $0x4000  }
0x25: {  	[sflag:s17] =	ssyncset.done $0x0  }
0x26: {  	[sflag:s17] =	ssyncadd.s32 $0xFFFFC000  }
0x27: {  	[spmem:s8] =	stream.linear.scatter [tilespmem:s16], [sflag:$0x2], $0x4000, $0x38;
	[tilespmem:$0x1B800] =	vst v63  }
0x28: {  	_ =	swait.ge [sflag:s17], $0x4000  }
0x29: {  	[sflag:s17] =	ssyncset.done $0x0  }
0x2a: {  	[sflag:s17] =	ssyncadd.s32 $0xFFFFC000  }
0x2b: {  	[spmem:s9] =	stream.linear.scatter [tilespmem:s16], [sflag:$0x2], $0x4000, $0x38;
	[tilespmem:$0x1B800] =	vst v63  }
0x2c: {  	_ =	swait.ge [sflag:s17], $0x4000  }
0x2d: {  	[sflag:s17] =	ssyncset.done $0x0  }
0x2e: {  	[sflag:s17] =	ssyncadd.s32 $0xFFFFC000  }
0x2f: {  	[spmem:s10] =	stream.linear.scatter [tilespmem:s16], [sflag:$0x2], $0x4000, $0x38;
	[tilespmem:$0x1B800] =	vst v63  }
0x30: {  	_ =	swait.ge [sflag:s17], $0x4000  }
0x31: {  	[sflag:s17] =	ssyncset.done $0x0  }
0x32: {  	[sflag:s17] =	ssyncadd.s32 $0xFFFFC000  }
0x33: {  	[spmem:s11] =	stream.linear.scatter [tilespmem:s16], [sflag:$0x2], $0x4000, $0x38;
	[tilespmem:$0x1B800] =	vst v63  }
0x34: {  	_ =	swait.ge [sflag:s17], $0x4000  }
0x35: {  	[sflag:s17] =	ssyncset.done $0x0  }
0x36: {  	s23 =	simm.s32 $0x40;
	s24 =	simm.s32 $0x0;
	[sflag:s17] =	ssyncadd.s32 $0xFFFFC000  }
.LBB2_4:
0x37: {  	p0 =	sne.s32 s23, $0x9FC0;
	[tilespmem:s24+$0x5000] =	vst v0;
	s24 =	smov.u32 s23;
	s23 =	sadd.s32 $0x40, s23  }
.Ltmp1:
0x38: {  	(pc) =	sbr.rel @p0 .LBB2_4-.Ltmp1, $2  }
0x39: {  	_ =	sdelay $0x2  }
0x3a: {  	s24 =	sshra.s32 s24, $0x2  }
0x3b: {  	[tilespmem:s24+$0x5000] =	vst v0  }
0x3c: {  	s23 =	simm.s32 $0x0;
	s24 =	simm.s32 $0x0;
	[bflag:$0x0] =	sbarrier.arrive $0xFFFF  }
.LBB2_6:
0x3d: {  	s25 =	sshll.u32 s24, $0xB  }
0x3e: {  	s25 =	sadd.s32 s25, s12  }
0x3f: {  	s25 =	sshrl.u32 s25, $0x3  }
0x40: {  	s26 =	sadd.s32 s5, s25  }
0x41: {  	[tilespmem:s23], [sflag:$0x2] =	stream.linear.gather [hbm4b:s26+s23], $0x800, $0x38;
	[tilespmem:$0x1B800] =	vst v63  }
0x42: {  	_ =	swait.ge [sflag:s17], $0x800  }
0x43: {  	[sflag:s17] =	ssyncset.done $0x0  }
0x44: {  	s25 =	sadd.s32 s6, s25;
	[sflag:s17] =	ssyncadd.s32 $0xFFFFF800  }
0x45: {  	[tilespmem:s18], [sflag:$0x2] =	stream.linear.gather [hbm4b:s25+s23], $0x800, $0x38;
	[tilespmem:$0x1B800] =	vst v63  }
0x46: {  	_ =	swait.ge [sflag:s17], $0x800  }
0x47: {  	[sflag:s17] =	ssyncset.done $0x0  }
0x48: {  	s25 =	simm.s32 $0x0;
	[sflag:s17] =	ssyncadd.s32 $0xFFFFF800  }
.LBB2_7:
0x49: {  	s26 =	sshra.s32 s25, $0x2  }
0x4a: {  	[tilespmem:s16], [sflag:$0x1] =	stream.indirect.gather [hbm4b:s4+s19], $0x80, s26, s19, $0xb8;
	[tilespmem:$0x1B800] =	vst v63  }
0x4b: {  	v2 =	vld [tilespmem:s26+$0x800];
	_ =	sdelay $0x7  }
0x4c: {  	[tilespmem:v2+s20+$0x0] =	vst.idx.add.f32.msk $0xffff, v1  }
0x4d: {  	v2 =	vld [tilespmem:s26+$0x810];
	_ =	sdelay $0x7  }
0x4e: {  	[tilespmem:v2+s20+$0x0] =	vst.idx.add.f32.msk $0xffff, v1  }
0x4f: {  	v2 =	vld [tilespmem:s26+$0x820];
	_ =	sdelay $0x7  }
0x50: {  	[tilespmem:v2+s20+$0x0] =	vst.idx.add.f32.msk $0xffff, v1  }
0x51: {  	v2 =	vld [tilespmem:s26+$0x830];
	_ =	sdelay $0x7  }
0x52: {  	[tilespmem:v2+s20+$0x0] =	vst.idx.add.f32.msk $0xffff, v1  }
0x53: {  	v2 =	vld [tilespmem:s26+$0x840];
	_ =	sdelay $0x7  }
0x54: {  	[tilespmem:v2+s20+$0x0] =	vst.idx.add.f32.msk $0xffff, v1  }
0x55: {  	v2 =	vld [tilespmem:s26+$0x850];
	_ =	sdelay $0x7  }
0x56: {  	[tilespmem:v2+s20+$0x0] =	vst.idx.add.f32.msk $0xffff, v1  }
0x57: {  	v2 =	vld [tilespmem:s26+$0x860];
	_ =	sdelay $0x7  }
0x58: {  	[tilespmem:v2+s20+$0x0] =	vst.idx.add.f32.msk $0xffff, v1  }
0x59: {  	v2 =	vld [tilespmem:s26+$0x870];
	_ =	sdelay $0x7  }
0x5a: {  	[tilespmem:v2+s20+$0x0] =	vst.idx.add.f32.msk $0xffff, v1  }
0x5b: {  	_ =	swait.ge [sflag:s21], $0x4000  }
0x5c: {  	p0 =	sne.s32 s25, $0x1E00;
	[sflag:s21] =	ssyncset.done $0x0  }
.Ltmp2:
0x5d: {  	s26 =	sadd.s32 $0x800, s26;
	[sflag:s21] =	ssyncadd.s32 $0xFFFFC000;
	(pc) =	sbr.rel @p0 .LBB2_7-.Ltmp2, $4  }
0x5e: {  	[spmem:s2] =	stream.indirect.scatter.add.f32 [tilespmem:s16], [sflag:$0x2], $0x80, s26, s19, $0xb8;
	[tilespmem:$0x1B800] =	vst v63  }
0x5f: {  	_ =	swait.ge [sflag:s17], $0x4000  }
0x60: {  	[sflag:s17] =	ssyncset.done $0x0  }
0x61: {  	s25 =	sadd.s32 $0x200, s25;
	[sflag:s17] =	ssyncadd.s32 $0xFFFFC000  }
0x62: {  	s24 =	sadd.s32 $0x1, s24  }
0x63: {  	p0 =	sne.s32 s24, $0x5  }
.Ltmp3:
0x64: {  	_ = 	snop;
	(pc) =	sbr.rel @p0 .LBB2_6-.Ltmp3, $1  }
0x65: {  	_ =	sdelay $0x3  }
0x66: {  	s23 =	sshll.u32 s1, $0x6  }
0x67: {  	[bflag:$0x0] =	sbarrier.arrive $0xFFFF;
	s24 =	sshrl.u32 s7, $0x3;
	s23 =	sor.u32 $0x1C02, s23  }
0x68: {  	[hbm:s13], [sflag:s23] =	dma.local [spmem:s24], $0x2800  }
0x69: {  	s3 =	sadd.s32 $0x1, s3;
	_ =	swait.ge [sflag:s17], $0x2800  }
0x6a: {  	p0 =	sne.s32 s3, s15;
	[sflag:s17] =	ssyncset.done $0x0  }
.Ltmp4:
0x6b: {  	[sflag:s17] =	ssyncadd.s32 $0xFFFFD800;
	(pc) =	sbr.rel @p0 .LBB2_1-.Ltmp4, $4  }
0x6c: {  	[hbm4b:s14+s19] =	stream.strided.scatter [tilespmem:s20], [sflag:$0x2], $0x2800, s22, s19, $0x38;
	[tilespmem:$0x1B800] =	vst v63  }
0x6d: {  	_ =	swait.ge [sflag:s17], $0x2800  }
0x6e: {  	[sflag:s17] =	ssyncset.done $0x0  }
0x6f: {  	[sflag:s17] =	ssyncadd.s32 $0xFFFFD800  }
0x70: {  	_ =	sfence.sel $0x180000  }
0x71: {  	[bflag:$0x0] =	sbarrier.arrive $0xFFFF  }
0x72: {  	p0 =	sne.s32 s1, $0x0;
	_ =	strace $0x90000047  }
0x73: {  	s0 =	sadd.s32 @!p0 $0x100000, s0;
	[bflag:$0x2] =	sbarrier.arrive $0xFFFF  }
0x74: {  	[sflag:s0] =	ssyncadd.tile.s32 @!p0 $0x1;
	_ =	shalt  }
.Lfunc_end2:
_tile_overlayer_lowered:
.L_overlay_start_2:
0x75: {  	(tag) =	ssettag $0x2  }
0x76: {  	s0 =	rddreg [dreg:$0x0];
	s2 =	stileid.u32  }
0x77: {  	s1 =	rddreg [dreg:$0x1];
	p0 =	sne.s32 s2, $0x0  }
0x78: {  	s3 =	rddreg [dreg:$0x2];
	[bflag:$0x3] =	sbarrier.arrive $0xFFFF;
	s2 =	simm.s32 @!p0 $0x1C02  }
0x79: {  	[timem:s3], [sflag:s2] =	dma.local @!p0 [hbm:s0], s1  }
0x7a: {  	s0 =	simm.s32 @!p0 $0x2  }
0x7b: {  	_ =	swait.ge @!p0 [sflag:s0], s1  }
0x7c: {  	s1 =	ssub.s32 @!p0 $0x0, s1;
	[sflag:s0] =	ssyncset.done @!p0 $0x0  }
0x7d: {  	[sflag:s0] =	ssyncadd.s32 @!p0 s1  }
0x7e: {  	[bflag:$0x3] =	sbarrier.arrive $0xFFFF  }
0x7f: {  	_ =	shalt  }

</sc_bundles>
